<compile_context>
chip_gen: v7x
topology: tpu7x:2x2x1
jax: 0.10.2.dev20260603
libtpu: 0.0.44.dev20260713+nightly
codegen_flags: <defaults>
</compile_context>

<pallas_src>
import functools

import jax
import jax.numpy as jnp
from jax import lax
from jax.experimental import pallas as pl
from jax.experimental.pallas import tpu as pltpu
from jax.experimental.pallas import tpu_sc as plsc

_N_FIELDS = 26
_EMB = 64
_DM = 512
_LANES = 128
_STEPS = _N_FIELDS + 1


def _sc_gather(idxs32, uid_t, cat_t):
    mesh = plsc.VectorSubcoreMesh(core_axis_name="c", subcore_axis_name="s")
    info = plsc.get_sparse_core_info()
    nc = info.num_cores

    @functools.partial(
        pl.kernel,
        mesh=mesh,
        out_type=jax.ShapeDtypeStruct((_STEPS * _EMB,), jnp.float32),
        scratch_types=[
            pltpu.VMEM((32,), jnp.int32),
            pltpu.VMEM((_EMB, _LANES), jnp.float32),
            pltpu.VMEM((_EMB,), jnp.float32),
        ],
        compiler_params=pltpu.CompilerParams(use_tc_tiling_on_sc=True,
                                             needs_layout_passes=False),
    )
    def k(idxs_hbm, uid_hbm, cat_hbm, out_hbm, idx_v, tile_v, col_v):
        w = lax.axis_index("s") * nc + lax.axis_index("c")

        @pl.when(w < _STEPS)
        def _work():
            pltpu.sync_copy(idxs_hbm, idx_v)
            lanes16 = lax.broadcasted_iota(jnp.int32, (16,), 0)
            lo = jnp.where(lanes16 == w, idx_v[pl.ds(0, 16)], 0)
            hi = jnp.where(lanes16 == w - 16, idx_v[pl.ds(16, 16)], 0)
            idx = jnp.sum(lo, axis=0) + jnp.sum(hi, axis=0)
            base = (idx // _LANES) * _LANES
            lane = idx % _LANES

            @pl.when(w == 0)
            def _uid():
                pltpu.sync_copy(uid_hbm.at[:, pl.ds(base, _LANES)], tile_v)

            @pl.when(w > 0)
            def _cat():
                pltpu.sync_copy(cat_hbm.at[w - 1, :, pl.ds(base, _LANES)],
                                tile_v)

            lane_vec = jnp.full((16,), lane, jnp.int32)
            for g in range(_EMB // 16):
                rows = lax.broadcasted_iota(jnp.int32, (16,), 0) + g * 16
                col_v[pl.ds(g * 16, 16)] = plsc.load_gather(
                    tile_v, [rows, lane_vec])
            pltpu.sync_copy(col_v, out_hbm.at[pl.ds(w * _EMB, _EMB)])

    return k(idxs32, uid_t, cat_t)


def _tc_mlp_body(fu_hbm, w1_hbm, b1_hbm, w2_hbm, b2_hbm, out_ref, fu_ref,
                 w1_ref, b1_ref, w2_ref, b2_ref, sems):
    w1_dma = pltpu.make_async_copy(w1_hbm, w1_ref, sems.at[0])
    w2_dma = pltpu.make_async_copy(w2_hbm, w2_ref, sems.at[1])
    b1_dma = pltpu.make_async_copy(b1_hbm, b1_ref, sems.at[2])
    b2_dma = pltpu.make_async_copy(b2_hbm, b2_ref, sems.at[3])
    fu_dma = pltpu.make_async_copy(fu_hbm, fu_ref, sems.at[4])
    w1_dma.start()
    fu_dma.start()
    w2_dma.start()
    b1_dma.start()
    b2_dma.start()

    fu_dma.wait()
    w1_dma.wait()
    b1_dma.wait()
    acc = None
    for s in range(_STEPS):
        row = fu_ref[pl.ds(s * _EMB, _EMB)].reshape(1, _EMB)
        partial = jnp.dot(row, w1_ref[pl.ds(s * _EMB, _EMB), :],
                          preferred_element_type=jnp.float32)
        acc = partial if acc is None else acc + partial
    x = acc + b1_ref[...]
    x = jnp.where(x >= 0, x, 0.01 * x)
    w2_dma.wait()
    b2_dma.wait()
    out_ref[...] = (jnp.dot(x, w2_ref[...], preferred_element_type=jnp.float32)
                    + b2_ref[...])


def kernel(uid, onehot_feats, uid_table, cat_tables, W1, b1, W2, b2):
    uid_t = uid_table.T
    cat_t = jnp.transpose(cat_tables, (0, 2, 1))
    idxs32 = jnp.concatenate(
        [uid.astype(jnp.int32), onehot_feats.reshape(-1).astype(jnp.int32),
         jnp.zeros((32 - _STEPS,), jnp.int32)])

    fu = _sc_gather(idxs32, uid_t, cat_t)

    out = pl.pallas_call(
        _tc_mlp_body,
        in_specs=[
            pl.BlockSpec(memory_space=pl.ANY),
            pl.BlockSpec(memory_space=pl.ANY),
            pl.BlockSpec(memory_space=pl.ANY),
            pl.BlockSpec(memory_space=pl.ANY),
            pl.BlockSpec(memory_space=pl.ANY),
        ],
        out_specs=pl.BlockSpec(memory_space=pltpu.VMEM),
        out_shape=jax.ShapeDtypeStruct((1, _DM), jnp.float32),
        scratch_shapes=[
            pltpu.VMEM((_STEPS * _EMB,), jnp.float32),
            pltpu.VMEM((_STEPS * _EMB, _DM), jnp.float32),
            pltpu.VMEM((1, _DM), jnp.float32),
            pltpu.VMEM((_DM, _DM), jnp.float32),
            pltpu.VMEM((1, _DM), jnp.float32),
            pltpu.SemaphoreType.DMA((5,)),
        ],
    )(fu, W1, b1.reshape(1, -1), W2, b2.reshape(1, -1))
    return out[None]

# --- scband reference (transcript-rebuilt; emitter-appended) ---
"""Pipeline reference for scband-user-static-pathway-26405458936355 (READ-ONLY COPY).

The authoritative reference and input builder live on the scoring server;
editing this copy changes nothing except your own understanding.
"""

import jax, jax.numpy as jnp
import numpy as np

NUM_USERS = 1000000
NUM_CATS = 100000
N_FIELDS = 26
EMB_DIM = 64
D_MODEL = 512


def setup_inputs(seed: int = 0) -> dict:
    key = jax.random.key(seed)
    ks = jax.random.split(key, 8)
    uid = jax.random.randint(ks[0], (1,), 0, NUM_USERS, dtype=jnp.int64 if jax.config.jax_enable_x64 else jnp.int32)
    onehot_feats = jax.random.randint(ks[1], (N_FIELDS, 1), 0, NUM_CATS, dtype=jnp.int64 if jax.config.jax_enable_x64 else jnp.int32)
    uid_table = jax.random.normal(ks[2], (NUM_USERS, EMB_DIM), dtype=jnp.float32) * 0.02
    cat_tables = jax.random.normal(ks[3], (N_FIELDS, NUM_CATS, EMB_DIM), dtype=jnp.float32) * 0.02
    input_dim = EMB_DIM * (N_FIELDS + 1)
    W1 = jax.random.normal(ks[4], (input_dim, D_MODEL), dtype=jnp.float32) * (1.0 / np.sqrt(input_dim))
    b1 = jnp.zeros((D_MODEL,), dtype=jnp.float32)
    W2 = jax.random.normal(ks[5], (D_MODEL, D_MODEL), dtype=jnp.float32) * (1.0 / np.sqrt(D_MODEL))
    b2 = jnp.zeros((D_MODEL,), dtype=jnp.float32)
    return {"uid": uid, "onehot_feats": onehot_feats, "uid_table": uid_table,
            "cat_tables": cat_tables, "W1": W1, "b1": b1, "W2": W2, "b2": b2}


def reference(uid, onehot_feats, uid_table, cat_tables, W1, b1, W2, b2):
    # uid: (1,) -> uid_emb: (1, EMB_DIM)
    uid_emb = jnp.take(uid_table, uid, axis=0)
    embs = [uid_emb]
    for i in range(N_FIELDS):
        # onehot_feats[i]: (1,) -> emb: (1, EMB_DIM)  (mirrors emb_layer(onehot_feats[i]))
        emb = jnp.take(cat_tables[i], onehot_feats[i], axis=0)
        embs.append(emb)
    f_u = jnp.concatenate(embs, axis=-1)  # (1, EMB_DIM*(N_FIELDS+1))
    x = f_u @ W1 + b1
    x = jax.nn.leaky_relu(x, negative_slope=0.01)
    h_u = x @ W2 + b2  # (1, D_MODEL)
    return h_u[None]  # (1, 1, D_MODEL) -- unsqueeze(0)

if __name__ == "__main__":
    import jax
    _d = setup_inputs()
    print(jax.jit(kernel)(*tuple(_d.values())))

</pallas_src>

<mosaic_0001>
#map = affine_map<(d0, d1) -> (0)>
#map1 = affine_map<(d0, d1) -> (0, 0)>
#map2 = affine_map<(d0, d1) -> (0, 0, 0)>
module attributes {stable_mosaic.version = 14 : i64} {
  func.func @k(%arg0: i32, %arg1: i32, %arg2: memref<32xi32, #tpu.memory_space<hbm>>, %arg3: memref<64x1000000xf32, #tpu.memory_space<hbm>>, %arg4: memref<26x64x100000xf32, #tpu.memory_space<hbm>>, %arg5: memref<1728xf32, #tpu.memory_space<hbm>>, %arg6: memref<32xi32, #tpu.memory_space<vmem>>, %arg7: memref<64x128xf32, #tpu.memory_space<vmem>>, %arg8: memref<64xf32, #tpu.memory_space<vmem>>) attributes {dimension_semantics = [#tpu.dimension_semantics<core_parallel>, #tpu.dimension_semantics<subcore_parallel>], iteration_bounds = array<i64: 2, 16>, scalar_prefetch = 0 : i64, scratch_operands = 3 : i64, tpu.core_type = #tpu.core_type<sc_vector_subcore>, window_params = [{transform_indices = #map}, {transform_indices = #map1}, {transform_indices = #map2}, {transform_indices = #map}]} {
    %mul3A = arith.constant 2 : i32
    %mul3A_0 = arith.muli %arg1, %mul3A : i32
    %add3A = arith.addi %mul3A_0, %arg0 : i32
    %lt3A = arith.constant 27 : i32
    %lt3A_1 = arith.cmpi slt, %add3A, %lt3A : i32
    %convert_element_type3A = arith.extui %lt3A_1 : i1 to i32
    %cond3A = arith.constant 0 : i32
    %cond3A_2 = arith.cmpi ne, %convert_element_type3A, %cond3A : i32
    scf.if %cond3A_2 {
      "tpu.region"() ({
        %run_scoped3A = tpu.sem_alloc : memref<!tpu.dma_semaphore, #tpu.memory_space<semaphore_mem>>
        tpu.enqueue_dma source(%arg2 : memref<32xi32, #tpu.memory_space<hbm>>) target(%arg6 : memref<32xi32, #tpu.memory_space<vmem>>) target_semaphore(%run_scoped3A : memref<!tpu.dma_semaphore, #tpu.memory_space<semaphore_mem>>)
        tpu.wait_dma2 semaphore(%run_scoped3A : memref<!tpu.dma_semaphore, #tpu.memory_space<semaphore_mem>>) src(%arg2 : memref<32xi32, #tpu.memory_space<hbm>>) dst(%arg6 : memref<32xi32, #tpu.memory_space<vmem>>)
        tpu.yield
      }) : () -> ()
      %iota3A = tpu.iota {dimensions = array<i32: 0>} : vector<16xi32>
      %eq3A = vector.broadcast %add3A : i32 to vector<16xi32>
      %eq3A_3 = arith.cmpi eq, %iota3A, %eq3A : vector<16xi32>
      %get3A = arith.constant 0 : index
      %get3A_4 = tpu.vector_load %arg6[%get3A] {strides = array<i32>} : memref<32xi32, #tpu.memory_space<vmem>>, vector<16xi32>,
      %jit3A = arith.constant 0 : i32
      %broadcast_in_dim3A = vector.broadcast %jit3A : i32 to vector<16xi32>
      %select_n3A = arith.select %eq3A_3, %get3A_4, %broadcast_in_dim3A : vector<16xi1>, vector<16xi32>
      %sub3A = arith.constant 16 : i32
      %sub3A_5 = arith.subi %add3A, %sub3A : i32
      %eq3A_6 = vector.broadcast %sub3A_5 : i32 to vector<16xi32>
      %eq3A_7 = arith.cmpi eq, %iota3A, %eq3A_6 : vector<16xi32>
      %get3A_8 = arith.constant 16 : index
      %get3A_9 = tpu.vector_load %arg6[%get3A_8] {strides = array<i32>} : memref<32xi32, #tpu.memory_space<vmem>>, vector<16xi32>,
      %jit3A_10 = arith.constant 0 : i32
      %broadcast_in_dim3A_11 = vector.broadcast %jit3A_10 : i32 to vector<16xi32>
      %select_n3A_12 = arith.select %eq3A_7, %get3A_9, %broadcast_in_dim3A_11 : vector<16xi1>, vector<16xi32>
      %reduce_sum3A = arith.constant true
      %reduce_sum3A_13 = vector.broadcast %reduce_sum3A : i1 to vector<16xi1>
      %reduce_sum3A_14 = tpu.scan <sum>, %select_n3A masked %reduce_sum3A_13 : vector<16xi32>, vector<16xi1> -> vector<16xi32>
      %reduce_sum3A_15 = vector.extract %reduce_sum3A_14[15] : i32 from vector<16xi32>
      %reduce_sum3A_16 = arith.constant true
      %reduce_sum3A_17 = vector.broadcast %reduce_sum3A_16 : i1 to vector<16xi1>
      %reduce_sum3A_18 = tpu.scan <sum>, %select_n3A_12 masked %reduce_sum3A_17 : vector<16xi32>, vector<16xi1> -> vector<16xi32>
      %reduce_sum3A_19 = vector.extract %reduce_sum3A_18[15] : i32 from vector<16xi32>
      %add3A_20 = arith.addi %reduce_sum3A_15, %reduce_sum3A_19 : i32
      %jit3A_21 = arith.constant 128 : i32
      %div3A = arith.divsi %add3A_20, %jit3A_21 : i32
      %sign3A = arith.constant 0 : i32
      %sign3A_22 = arith.cmpi sgt, %add3A_20, %sign3A : i32
      %sign3A_23 = arith.extui %sign3A_22 : i1 to i32
      %sign3A_24 = arith.constant 0 : i32
      %sign3A_25 = arith.cmpi slt, %add3A_20, %sign3A_24 : i32
      %sign3A_26 = arith.extui %sign3A_25 : i1 to i32
      %sign3A_27 = arith.subi %sign3A_23, %sign3A_26 : i32
      %sign3A_28 = arith.constant 0 : i32
      %sign3A_29 = arith.cmpi sgt, %jit3A_21, %sign3A_28 : i32
      %sign3A_30 = arith.extui %sign3A_29 : i1 to i32
      %sign3A_31 = arith.constant 0 : i32
      %sign3A_32 = arith.cmpi slt, %jit3A_21, %sign3A_31 : i32
      %sign3A_33 = arith.extui %sign3A_32 : i1 to i32
      %sign3A_34 = arith.subi %sign3A_30, %sign3A_33 : i32
      %ne3A = arith.cmpi ne, %sign3A_27, %sign3A_34 : i32
      %rem3A = arith.remsi %add3A_20, %jit3A_21 : i32
      %ne3A_35 = arith.constant 0 : i32
      %ne3A_36 = arith.cmpi ne, %rem3A, %ne3A_35 : i32
      %and3A = arith.andi %ne3A, %ne3A_36 : i1
      %sub3A_37 = arith.constant 1 : i32
      %sub3A_38 = arith.subi %div3A, %sub3A_37 : i32
      %select_n3A_39 = arith.select %and3A, %sub3A_38, %div3A : i32
      %mul3A_40 = arith.constant 128 : i32
      %mul3A_41 = arith.muli %select_n3A_39, %mul3A_40 : i32
      %jit3A_42 = arith.constant 128 : i32
      %eq3A_43 = arith.constant 0 : i32
      %eq3A_44 = arith.cmpi eq, %jit3A_42, %eq3A_43 : i32
      %jit3A_45 = arith.constant 1 : i32
      %select_n3A_46 = arith.select %eq3A_44, %jit3A_45, %jit3A_42 : i32
      %rem3A_47 = arith.remsi %add3A_20, %select_n3A_46 : i32
      %ne3A_48 = arith.constant 0 : i32
      %ne3A_49 = arith.cmpi ne, %rem3A_47, %ne3A_48 : i32
      %lt3A_50 = arith.constant 0 : i32
      %lt3A_51 = arith.cmpi slt, %rem3A_47, %lt3A_50 : i32
      %lt3A_52 = arith.constant 0 : i32
      %lt3A_53 = arith.cmpi slt, %select_n3A_46, %lt3A_52 : i32
      %ne3A_54 = arith.xori %lt3A_51, %lt3A_53 : i1
      %and3A_55 = arith.andi %ne3A_54, %ne3A_49 : i1
      %add3A_56 = arith.addi %rem3A_47, %select_n3A_46 : i32
      %select_n3A_57 = arith.select %and3A_55, %add3A_56, %rem3A_47 : i32
      %eq3A_58 = arith.constant 0 : i32
      %eq3A_59 = arith.cmpi eq, %add3A, %eq3A_58 : i32
      %convert_element_type3A_60 = arith.extui %eq3A_59 : i1 to i32
      %cond3A_61 = arith.constant 0 : i32
      %cond3A_62 = arith.cmpi ne, %convert_element_type3A_60, %cond3A_61 : i32
      scf.if %cond3A_62 {
        "tpu.region"() ({
          %run_scoped3A = tpu.sem_alloc : memref<!tpu.dma_semaphore, #tpu.memory_space<semaphore_mem>>
          %dma_start3A = arith.constant 0 : i32
          %dma_start3A_96 = tpu.memref_slice %arg3[%dma_start3A, %mul3A_41] : memref<64x1000000xf32, #tpu.memory_space<hbm>> -> memref<64x128xf32, #tpu.memory_space<hbm>>
          %dma_start3A_97 = arith.constant 0 : i32
          %dma_start3A_98 = tpu.memref_slice %arg3[%dma_start3A_97, %mul3A_41] : memref<64x1000000xf32, #tpu.memory_space<hbm>> -> memref<64x128xf32, #tpu.memory_space<hbm>>
          tpu.enqueue_dma source(%dma_start3A_98 : memref<64x128xf32, #tpu.memory_space<hbm>>) target(%arg7 : memref<64x128xf32, #tpu.memory_space<vmem>>) target_semaphore(%run_scoped3A : memref<!tpu.dma_semaphore, #tpu.memory_space<semaphore_mem>>)
          %dma_wait3A = arith.constant 0 : i32
          %dma_wait3A_99 = tpu.memref_slice %arg3[%dma_wait3A, %mul3A_41] : memref<64x1000000xf32, #tpu.memory_space<hbm>> -> memref<64x128xf32, #tpu.memory_space<hbm>>
          %dma_wait3A_100 = arith.constant 0 : i32
          %dma_wait3A_101 = tpu.memref_slice %arg3[%dma_wait3A_100, %mul3A_41] : memref<64x1000000xf32, #tpu.memory_space<hbm>> -> memref<64x128xf32, #tpu.memory_space<hbm>>
          tpu.wait_dma2 semaphore(%run_scoped3A : memref<!tpu.dma_semaphore, #tpu.memory_space<semaphore_mem>>) src(%dma_wait3A_101 : memref<64x128xf32, #tpu.memory_space<hbm>>) dst(%arg7 : memref<64x128xf32, #tpu.memory_space<vmem>>)
          tpu.yield
        }) : () -> ()
      } else {
      }
      %gt3A = arith.constant 0 : i32
      %gt3A_63 = arith.cmpi sgt, %add3A, %gt3A : i32
      %convert_element_type3A_64 = arith.extui %gt3A_63 : i1 to i32
      %cond3A_65 = arith.constant 0 : i32
      %cond3A_66 = arith.cmpi ne, %convert_element_type3A_64, %cond3A_65 : i32
      scf.if %cond3A_66 {
        %sub3A_96 = arith.constant 1 : i32
        %sub3A_97 = arith.subi %add3A, %sub3A_96 : i32
        "tpu.region"() ({
          %run_scoped3A = tpu.sem_alloc : memref<!tpu.dma_semaphore, #tpu.memory_space<semaphore_mem>>
          %dma_start3A = arith.constant 0 : i32
          %dma_start3A_98 = tpu.memref_slice %arg4[%sub3A_97, %dma_start3A, %mul3A_41] : memref<26x64x100000xf32, #tpu.memory_space<hbm>> -> memref<1x64x128xf32, #tpu.memory_space<hbm>>
          %dma_start3A_99 = tpu.memref_squeeze %dma_start3A_98 : memref<1x64x128xf32, #tpu.memory_space<hbm>> -> memref<64x128xf32, #tpu.memory_space<hbm>>
          %dma_start3A_100 = arith.constant 0 : i32
          %dma_start3A_101 = tpu.memref_slice %arg4[%sub3A_97, %dma_start3A_100, %mul3A_41] : memref<26x64x100000xf32, #tpu.memory_space<hbm>> -> memref<1x64x128xf32, #tpu.memory_space<hbm>>
          %dma_start3A_102 = tpu.memref_squeeze %dma_start3A_101 : memref<1x64x128xf32, #tpu.memory_space<hbm>> -> memref<64x128xf32, #tpu.memory_space<hbm>>
          tpu.enqueue_dma source(%dma_start3A_102 : memref<64x128xf32, #tpu.memory_space<hbm>>) target(%arg7 : memref<64x128xf32, #tpu.memory_space<vmem>>) target_semaphore(%run_scoped3A : memref<!tpu.dma_semaphore, #tpu.memory_space<semaphore_mem>>)
          %dma_wait3A = arith.constant 0 : i32
          %dma_wait3A_103 = tpu.memref_slice %arg4[%sub3A_97, %dma_wait3A, %mul3A_41] : memref<26x64x100000xf32, #tpu.memory_space<hbm>> -> memref<1x64x128xf32, #tpu.memory_space<hbm>>
          %dma_wait3A_104 = tpu.memref_squeeze %dma_wait3A_103 : memref<1x64x128xf32, #tpu.memory_space<hbm>> -> memref<64x128xf32, #tpu.memory_space<hbm>>
          %dma_wait3A_105 = arith.constant 0 : i32
          %dma_wait3A_106 = tpu.memref_slice %arg4[%sub3A_97, %dma_wait3A_105, %mul3A_41] : memref<26x64x100000xf32, #tpu.memory_space<hbm>> -> memref<1x64x128xf32, #tpu.memory_space<hbm>>
          %dma_wait3A_107 = tpu.memref_squeeze %dma_wait3A_106 : memref<1x64x128xf32, #tpu.memory_space<hbm>> -> memref<64x128xf32, #tpu.memory_space<hbm>>
          tpu.wait_dma2 semaphore(%run_scoped3A : memref<!tpu.dma_semaphore, #tpu.memory_space<semaphore_mem>>) src(%dma_wait3A_107 : memref<64x128xf32, #tpu.memory_space<hbm>>) dst(%arg7 : memref<64x128xf32, #tpu.memory_space<vmem>>)
          tpu.yield
        }) : () -> ()
      } else {
      }
      %broadcast_in_dim3A_67 = vector.broadcast %select_n3A_57 : i32 to vector<16xi32>
      %iota3A_68 = tpu.iota {dimensions = array<i32: 0>} : vector<16xi32>
      %add3A_69 = arith.constant 0 : i32
      %add3A_70 = vector.broadcast %add3A_69 : i32 to vector<16xi32>
      %add3A_71 = arith.addi %iota3A_68, %add3A_70 : vector<16xi32>
      %gather3A = tpu.vector_load_idx %arg7[%add3A_71, %broadcast_in_dim3A_67] : memref<64x128xf32, #tpu.memory_space<vmem>>[vector<16xi32>, vector<16xi32>], vector<16xf32>,
      %swap3A = arith.constant 0 : index
      %swap3A_72 = tpu.vector_load %arg8[%swap3A] {strides = array<i32>} : memref<64xf32, #tpu.memory_space<vmem>>, vector<16xf32>,
      tpu.vector_store %arg8[%swap3A], %gather3A {strides = array<i32>} : memref<64xf32, #tpu.memory_space<vmem>>, vector<16xf32>,
      %iota3A_73 = tpu.iota {dimensions = array<i32: 0>} : vector<16xi32>
      %add3A_74 = arith.constant 16 : i32
      %add3A_75 = vector.broadcast %add3A_74 : i32 to vector<16xi32>
      %add3A_76 = arith.addi %iota3A_73, %add3A_75 : vector<16xi32>
      %gather3A_77 = tpu.vector_load_idx %arg7[%add3A_76, %broadcast_in_dim3A_67] : memref<64x128xf32, #tpu.memory_space<vmem>>[vector<16xi32>, vector<16xi32>], vector<16xf32>,
      %swap3A_78 = arith.constant 16 : index
      %swap3A_79 = tpu.vector_load %arg8[%swap3A_78] {strides = array<i32>} : memref<64xf32, #tpu.memory_space<vmem>>, vector<16xf32>,
      tpu.vector_store %arg8[%swap3A_78], %gather3A_77 {strides = array<i32>} : memref<64xf32, #tpu.memory_space<vmem>>, vector<16xf32>,
      %iota3A_80 = tpu.iota {dimensions = array<i32: 0>} : vector<16xi32>
      %add3A_81 = arith.constant 32 : i32
      %add3A_82 = vector.broadcast %add3A_81 : i32 to vector<16xi32>
      %add3A_83 = arith.addi %iota3A_80, %add3A_82 : vector<16xi32>
      %gather3A_84 = tpu.vector_load_idx %arg7[%add3A_83, %broadcast_in_dim3A_67] : memref<64x128xf32, #tpu.memory_space<vmem>>[vector<16xi32>, vector<16xi32>], vector<16xf32>,
      %swap3A_85 = arith.constant 32 : index
      %swap3A_86 = tpu.vector_load %arg8[%swap3A_85] {strides = array<i32>} : memref<64xf32, #tpu.memory_space<vmem>>, vector<16xf32>,
      tpu.vector_store %arg8[%swap3A_85], %gather3A_84 {strides = array<i32>} : memref<64xf32, #tpu.memory_space<vmem>>, vector<16xf32>,
      %iota3A_87 = tpu.iota {dimensions = array<i32: 0>} : vector<16xi32>
      %add3A_88 = arith.constant 48 : i32
      %add3A_89 = vector.broadcast %add3A_88 : i32 to vector<16xi32>
      %add3A_90 = arith.addi %iota3A_87, %add3A_89 : vector<16xi32>
      %gather3A_91 = tpu.vector_load_idx %arg7[%add3A_90, %broadcast_in_dim3A_67] : memref<64x128xf32, #tpu.memory_space<vmem>>[vector<16xi32>, vector<16xi32>], vector<16xf32>,
      %swap3A_92 = arith.constant 48 : index
      %swap3A_93 = tpu.vector_load %arg8[%swap3A_92] {strides = array<i32>} : memref<64xf32, #tpu.memory_space<vmem>>, vector<16xf32>,
      tpu.vector_store %arg8[%swap3A_92], %gather3A_91 {strides = array<i32>} : memref<64xf32, #tpu.memory_space<vmem>>, vector<16xf32>,
      %mul3A_94 = arith.constant 64 : i32
      %mul3A_95 = arith.muli %add3A, %mul3A_94 : i32
      "tpu.region"() ({
        %run_scoped3A = tpu.sem_alloc : memref<!tpu.dma_semaphore, #tpu.memory_space<semaphore_mem>>
        %dma_start3A = tpu.memref_slice %arg5[%mul3A_95] : memref<1728xf32, #tpu.memory_space<hbm>> -> memref<64xf32, #tpu.memory_space<hbm>>
        %dma_start3A_96 = tpu.memref_slice %arg5[%mul3A_95] : memref<1728xf32, #tpu.memory_space<hbm>> -> memref<64xf32, #tpu.memory_space<hbm>>
        tpu.enqueue_dma source(%arg8 : memref<64xf32, #tpu.memory_space<vmem>>) target(%dma_start3A_96 : memref<64xf32, #tpu.memory_space<hbm>>) target_semaphore(%run_scoped3A : memref<!tpu.dma_semaphore, #tpu.memory_space<semaphore_mem>>)
        %dma_wait3A = tpu.memref_slice %arg5[%mul3A_95] : memref<1728xf32, #tpu.memory_space<hbm>> -> memref<64xf32, #tpu.memory_space<hbm>>
        %dma_wait3A_97 = tpu.memref_slice %arg5[%mul3A_95] : memref<1728xf32, #tpu.memory_space<hbm>> -> memref<64xf32, #tpu.memory_space<hbm>>
        tpu.wait_dma2 semaphore(%run_scoped3A : memref<!tpu.dma_semaphore, #tpu.memory_space<semaphore_mem>>) src(%arg8 : memref<64xf32, #tpu.memory_space<vmem>>) dst(%dma_wait3A_97 : memref<64xf32, #tpu.memory_space<hbm>>)
        tpu.yield
      }) : () -> ()
    } else {
    }
    return
  }
}

module attributes {stable_mosaic.version = 14 : i64} {
  func.func @_tc_mlp_body(%arg0: memref<1728xf32, #tpu.memory_space<any>>, %arg1: memref<1728x512xf32, #tpu.memory_space<any>>, %arg2: memref<1x512xf32, #tpu.memory_space<any>>, %arg3: memref<512x512xf32, #tpu.memory_space<any>>, %arg4: memref<1x512xf32, #tpu.memory_space<any>>, %arg5: memref<1x512xf32, #tpu.memory_space<vmem>>, %arg6: memref<1728xf32, #tpu.memory_space<vmem>>, %arg7: memref<1728x512xf32, #tpu.memory_space<vmem>>, %arg8: memref<1x512xf32, #tpu.memory_space<vmem>>, %arg9: memref<512x512xf32, #tpu.memory_space<vmem>>, %arg10: memref<1x512xf32, #tpu.memory_space<vmem>>, %arg11: memref<5x!tpu.dma_semaphore, #tpu.memory_space<semaphore_mem>>) attributes {dimension_semantics = [], scalar_prefetch = 0 : i64, scratch_operands = 6 : i64, tpu.core_type = #tpu.core_type<tc>} {
    %dma_start3A = arith.constant 0 : i32
    %dma_start3A_0 = tpu.memref_slice %arg11[%dma_start3A] : memref<5x!tpu.dma_semaphore, #tpu.memory_space<semaphore_mem>> -> memref<1x!tpu.dma_semaphore, #tpu.memory_space<semaphore_mem>>
    %dma_start3A_1 = tpu.memref_squeeze %dma_start3A_0 : memref<1x!tpu.dma_semaphore, #tpu.memory_space<semaphore_mem>> -> memref<!tpu.dma_semaphore, #tpu.memory_space<semaphore_mem>>
    tpu.enqueue_dma source(%arg1 : memref<1728x512xf32, #tpu.memory_space<any>>) target(%arg7 : memref<1728x512xf32, #tpu.memory_space<vmem>>) target_semaphore(%dma_start3A_1 : memref<!tpu.dma_semaphore, #tpu.memory_space<semaphore_mem>>)
    %dma_start3A_2 = arith.constant 4 : i32
    %dma_start3A_3 = tpu.memref_slice %arg11[%dma_start3A_2] : memref<5x!tpu.dma_semaphore, #tpu.memory_space<semaphore_mem>> -> memref<1x!tpu.dma_semaphore, #tpu.memory_space<semaphore_mem>>
    %dma_start3A_4 = tpu.memref_squeeze %dma_start3A_3 : memref<1x!tpu.dma_semaphore, #tpu.memory_space<semaphore_mem>> -> memref<!tpu.dma_semaphore, #tpu.memory_space<semaphore_mem>>
    tpu.enqueue_dma source(%arg0 : memref<1728xf32, #tpu.memory_space<any>>) target(%arg6 : memref<1728xf32, #tpu.memory_space<vmem>>) target_semaphore(%dma_start3A_4 : memref<!tpu.dma_semaphore, #tpu.memory_space<semaphore_mem>>)
    %dma_start3A_5 = arith.constant 1 : i32
    %dma_start3A_6 = tpu.memref_slice %arg11[%dma_start3A_5] : memref<5x!tpu.dma_semaphore, #tpu.memory_space<semaphore_mem>> -> memref<1x!tpu.dma_semaphore, #tpu.memory_space<semaphore_mem>>
    %dma_start3A_7 = tpu.memref_squeeze %dma_start3A_6 : memref<1x!tpu.dma_semaphore, #tpu.memory_space<semaphore_mem>> -> memref<!tpu.dma_semaphore, #tpu.memory_space<semaphore_mem>>
    tpu.enqueue_dma source(%arg3 : memref<512x512xf32, #tpu.memory_space<any>>) target(%arg9 : memref<512x512xf32, #tpu.memory_space<vmem>>) target_semaphore(%dma_start3A_7 : memref<!tpu.dma_semaphore, #tpu.memory_space<semaphore_mem>>)
    %dma_start3A_8 = arith.constant 2 : i32
    %dma_start3A_9 = tpu.memref_slice %arg11[%dma_start3A_8] : memref<5x!tpu.dma_semaphore, #tpu.memory_space<semaphore_mem>> -> memref<1x!tpu.dma_semaphore, #tpu.memory_space<semaphore_mem>>
    %dma_start3A_10 = tpu.memref_squeeze %dma_start3A_9 : memref<1x!tpu.dma_semaphore, #tpu.memory_space<semaphore_mem>> -> memref<!tpu.dma_semaphore, #tpu.memory_space<semaphore_mem>>
    tpu.enqueue_dma source(%arg2 : memref<1x512xf32, #tpu.memory_space<any>>) target(%arg8 : memref<1x512xf32, #tpu.memory_space<vmem>>) target_semaphore(%dma_start3A_10 : memref<!tpu.dma_semaphore, #tpu.memory_space<semaphore_mem>>)
    %dma_start3A_11 = arith.constant 3 : i32
    %dma_start3A_12 = tpu.memref_slice %arg11[%dma_start3A_11] : memref<5x!tpu.dma_semaphore, #tpu.memory_space<semaphore_mem>> -> memref<1x!tpu.dma_semaphore, #tpu.memory_space<semaphore_mem>>
    %dma_start3A_13 = tpu.memref_squeeze %dma_start3A_12 : memref<1x!tpu.dma_semaphore, #tpu.memory_space<semaphore_mem>> -> memref<!tpu.dma_semaphore, #tpu.memory_space<semaphore_mem>>
    tpu.enqueue_dma source(%arg4 : memref<1x512xf32, #tpu.memory_space<any>>) target(%arg10 : memref<1x512xf32, #tpu.memory_space<vmem>>) target_semaphore(%dma_start3A_13 : memref<!tpu.dma_semaphore, #tpu.memory_space<semaphore_mem>>)
    %dma_wait3A = arith.constant 4 : i32
    %dma_wait3A_14 = tpu.memref_slice %arg11[%dma_wait3A] : memref<5x!tpu.dma_semaphore, #tpu.memory_space<semaphore_mem>> -> memref<1x!tpu.dma_semaphore, #tpu.memory_space<semaphore_mem>>
    %dma_wait3A_15 = tpu.memref_squeeze %dma_wait3A_14 : memref<1x!tpu.dma_semaphore, #tpu.memory_space<semaphore_mem>> -> memref<!tpu.dma_semaphore, #tpu.memory_space<semaphore_mem>>
    tpu.wait_dma2 semaphore(%dma_wait3A_15 : memref<!tpu.dma_semaphore, #tpu.memory_space<semaphore_mem>>) src(%arg0 : memref<1728xf32, #tpu.memory_space<any>>) dst(%arg6 : memref<1728xf32, #tpu.memory_space<vmem>>)
    %dma_wait3A_16 = arith.constant 0 : i32
    %dma_wait3A_17 = tpu.memref_slice %arg11[%dma_wait3A_16] : memref<5x!tpu.dma_semaphore, #tpu.memory_space<semaphore_mem>> -> memref<1x!tpu.dma_semaphore, #tpu.memory_space<semaphore_mem>>
    %dma_wait3A_18 = tpu.memref_squeeze %dma_wait3A_17 : memref<1x!tpu.dma_semaphore, #tpu.memory_space<semaphore_mem>> -> memref<!tpu.dma_semaphore, #tpu.memory_space<semaphore_mem>>
    tpu.wait_dma2 semaphore(%dma_wait3A_18 : memref<!tpu.dma_semaphore, #tpu.memory_space<semaphore_mem>>) src(%arg1 : memref<1728x512xf32, #tpu.memory_space<any>>) dst(%arg7 : memref<1728x512xf32, #tpu.memory_space<vmem>>)
    %dma_wait3A_19 = arith.constant 2 : i32
    %dma_wait3A_20 = tpu.memref_slice %arg11[%dma_wait3A_19] : memref<5x!tpu.dma_semaphore, #tpu.memory_space<semaphore_mem>> -> memref<1x!tpu.dma_semaphore, #tpu.memory_space<semaphore_mem>>
    %dma_wait3A_21 = tpu.memref_squeeze %dma_wait3A_20 : memref<1x!tpu.dma_semaphore, #tpu.memory_space<semaphore_mem>> -> memref<!tpu.dma_semaphore, #tpu.memory_space<semaphore_mem>>
    tpu.wait_dma2 semaphore(%dma_wait3A_21 : memref<!tpu.dma_semaphore, #tpu.memory_space<semaphore_mem>>) src(%arg2 : memref<1x512xf32, #tpu.memory_space<any>>) dst(%arg8 : memref<1x512xf32, #tpu.memory_space<vmem>>)
    %get3A = arith.constant 0 : index
    %get3A_22 = vector.load %arg6[%get3A] : memref<1728xf32, #tpu.memory_space<vmem>>, vector<64xf32>
    %reshape3A = vector.shape_cast %get3A_22 : vector<64xf32> to vector<1x64xf32>
    %get3A_23 = arith.constant 0 : index
    %get3A_24 = arith.constant 0 : index
    %get3A_25 = vector.load %arg7[%get3A_23, %get3A_24] : memref<1728x512xf32, #tpu.memory_space<vmem>>, vector<64x512xf32>
    %dot_general3A = arith.constant dense<0.000000e+00> : vector<1x512xf32>
    %dot_general3A_26 = tpu.matmul %reshape3A, %get3A_25, %dot_general3A {dimension_numbers = #tpu.dot_dimension_numbers<[1], [0], [0], [1], [0, 0, 1, 1], [], []>, transpose_lhs_hint = false} : vector<1x64xf32>, vector<64x512xf32>, vector<1x512xf32> -> vector<1x512xf32>
    %get3A_27 = arith.constant 64 : index
    %get3A_28 = vector.load %arg6[%get3A_27] : memref<1728xf32, #tpu.memory_space<vmem>>, vector<64xf32>
    %reshape3A_29 = vector.shape_cast %get3A_28 : vector<64xf32> to vector<1x64xf32>
    %get3A_30 = arith.constant 64 : index
    %get3A_31 = arith.constant 0 : index
    %get3A_32 = vector.load %arg7[%get3A_30, %get3A_31] : memref<1728x512xf32, #tpu.memory_space<vmem>>, vector<64x512xf32>
    %dot_general3A_33 = arith.constant dense<0.000000e+00> : vector<1x512xf32>
    %dot_general3A_34 = tpu.matmul %reshape3A_29, %get3A_32, %dot_general3A_33 {dimension_numbers = #tpu.dot_dimension_numbers<[1], [0], [0], [1], [0, 0, 1, 1], [], []>, transpose_lhs_hint = false} : vector<1x64xf32>, vector<64x512xf32>, vector<1x512xf32> -> vector<1x512xf32>
    %add3A = arith.addf %dot_general3A_26, %dot_general3A_34 : vector<1x512xf32>
    %get3A_35 = arith.constant 128 : index
    %get3A_36 = vector.load %arg6[%get3A_35] : memref<1728xf32, #tpu.memory_space<vmem>>, vector<64xf32>
    %reshape3A_37 = vector.shape_cast %get3A_36 : vector<64xf32> to vector<1x64xf32>
    %get3A_38 = arith.constant 128 : index
    %get3A_39 = arith.constant 0 : index
    %get3A_40 = vector.load %arg7[%get3A_38, %get3A_39] : memref<1728x512xf32, #tpu.memory_space<vmem>>, vector<64x512xf32>
    %dot_general3A_41 = arith.constant dense<0.000000e+00> : vector<1x512xf32>
    %dot_general3A_42 = tpu.matmul %reshape3A_37, %get3A_40, %dot_general3A_41 {dimension_numbers = #tpu.dot_dimension_numbers<[1], [0], [0], [1], [0, 0, 1, 1], [], []>, transpose_lhs_hint = false} : vector<1x64xf32>, vector<64x512xf32>, vector<1x512xf32> -> vector<1x512xf32>
    %add3A_43 = arith.addf %add3A, %dot_general3A_42 : vector<1x512xf32>
    %get3A_44 = arith.constant 192 : index
    %get3A_45 = vector.load %arg6[%get3A_44] : memref<1728xf32, #tpu.memory_space<vmem>>, vector<64xf32>
    %reshape3A_46 = vector.shape_cast %get3A_45 : vector<64xf32> to vector<1x64xf32>
    %get3A_47 = arith.constant 192 : index
    %get3A_48 = arith.constant 0 : index
    %get3A_49 = vector.load %arg7[%get3A_47, %get3A_48] : memref<1728x512xf32, #tpu.memory_space<vmem>>, vector<64x512xf32>
    %dot_general3A_50 = arith.constant dense<0.000000e+00> : vector<1x512xf32>
    %dot_general3A_51 = tpu.matmul %reshape3A_46, %get3A_49, %dot_general3A_50 {dimension_numbers = #tpu.dot_dimension_numbers<[1], [0], [0], [1], [0, 0, 1, 1], [], []>, transpose_lhs_hint = false} : vector<1x64xf32>, vector<64x512xf32>, vector<1x512xf32> -> vector<1x512xf32>
    %add3A_52 = arith.addf %add3A_43, %dot_general3A_51 : vector<1x512xf32>
    %get3A_53 = arith.constant 256 : index
    %get3A_54 = vector.load %arg6[%get3A_53] : memref<1728xf32, #tpu.memory_space<vmem>>, vector<64xf32>
    %reshape3A_55 = vector.shape_cast %get3A_54 : vector<64xf32> to vector<1x64xf32>
    %get3A_56 = arith.constant 256 : index
    %get3A_57 = arith.constant 0 : index
    %get3A_58 = vector.load %arg7[%get3A_56, %get3A_57] : memref<1728x512xf32, #tpu.memory_space<vmem>>, vector<64x512xf32>
    %dot_general3A_59 = arith.constant dense<0.000000e+00> : vector<1x512xf32>
    %dot_general3A_60 = tpu.matmul %reshape3A_55, %get3A_58, %dot_general3A_59 {dimension_numbers = #tpu.dot_dimension_numbers<[1], [0], [0], [1], [0, 0, 1, 1], [], []>, transpose_lhs_hint = false} : vector<1x64xf32>, vector<64x512xf32>, vector<1x512xf32> -> vector<1x512xf32>
    %add3A_61 = arith.addf %add3A_52, %dot_general3A_60 : vector<1x512xf32>
    %get3A_62 = arith.constant 320 : index
    %get3A_63 = vector.load %arg6[%get3A_62] : memref<1728xf32, #tpu.memory_space<vmem>>, vector<64xf32>
    %reshape3A_64 = vector.shape_cast %get3A_63 : vector<64xf32> to vector<1x64xf32>
    %get3A_65 = arith.constant 320 : index
    %get3A_66 = arith.constant 0 : index
    %get3A_67 = vector.load %arg7[%get3A_65, %get3A_66] : memref<1728x512xf32, #tpu.memory_space<vmem>>, vector<64x512xf32>
    %dot_general3A_68 = arith.constant dense<0.000000e+00> : vector<1x512xf32>
    %dot_general3A_69 = tpu.matmul %reshape3A_64, %get3A_67, %dot_general3A_68 {dimension_numbers = #tpu.dot_dimension_numbers<[1], [0], [0], [1], [0, 0, 1, 1], [], []>, transpose_lhs_hint = false} : vector<1x64xf32>, vector<64x512xf32>, vector<1x512xf32> -> vector<1x512xf32>
    %add3A_70 = arith.addf %add3A_61, %dot_general3A_69 : vector<1x512xf32>
    %get3A_71 = arith.constant 384 : index
    %get3A_72 = vector.load %arg6[%get3A_71] : memref<1728xf32, #tpu.memory_space<vmem>>, vector<64xf32>
    %reshape3A_73 = vector.shape_cast %get3A_72 : vector<64xf32> to vector<1x64xf32>
    %get3A_74 = arith.constant 384 : index
    %get3A_75 = arith.constant 0 : index
    %get3A_76 = vector.load %arg7[%get3A_74, %get3A_75] : memref<1728x512xf32, #tpu.memory_space<vmem>>, vector<64x512xf32>
    %dot_general3A_77 = arith.constant dense<0.000000e+00> : vector<1x512xf32>
    %dot_general3A_78 = tpu.matmul %reshape3A_73, %get3A_76, %dot_general3A_77 {dimension_numbers = #tpu.dot_dimension_numbers<[1], [0], [0], [1], [0, 0, 1, 1], [], []>, transpose_lhs_hint = false} : vector<1x64xf32>, vector<64x512xf32>, vector<1x512xf32> -> vector<1x512xf32>
    %add3A_79 = arith.addf %add3A_70, %dot_general3A_78 : vector<1x512xf32>
    %get3A_80 = arith.constant 448 : index
    %get3A_81 = vector.load %arg6[%get3A_80] : memref<1728xf32, #tpu.memory_space<vmem>>, vector<64xf32>
    %reshape3A_82 = vector.shape_cast %get3A_81 : vector<64xf32> to vector<1x64xf32>
    %get3A_83 = arith.constant 448 : index
    %get3A_84 = arith.constant 0 : index
    %get3A_85 = vector.load %arg7[%get3A_83, %get3A_84] : memref<1728x512xf32, #tpu.memory_space<vmem>>, vector<64x512xf32>
    %dot_general3A_86 = arith.constant dense<0.000000e+00> : vector<1x512xf32>
    %dot_general3A_87 = tpu.matmul %reshape3A_82, %get3A_85, %dot_general3A_86 {dimension_numbers = #tpu.dot_dimension_numbers<[1], [0], [0], [1], [0, 0, 1, 1], [], []>, transpose_lhs_hint = false} : vector<1x64xf32>, vector<64x512xf32>, vector<1x512xf32> -> vector<1x512xf32>
    %add3A_88 = arith.addf %add3A_79, %dot_general3A_87 : vector<1x512xf32>
    %get3A_89 = arith.constant 512 : index
    %get3A_90 = vector.load %arg6[%get3A_89] : memref<1728xf32, #tpu.memory_space<vmem>>, vector<64xf32>
    %reshape3A_91 = vector.shape_cast %get3A_90 : vector<64xf32> to vector<1x64xf32>
    %get3A_92 = arith.constant 512 : index
    %get3A_93 = arith.constant 0 : index
    %get3A_94 = vector.load %arg7[%get3A_92, %get3A_93] : memref<1728x512xf32, #tpu.memory_space<vmem>>, vector<64x512xf32>
    %dot_general3A_95 = arith.constant dense<0.000000e+00> : vector<1x512xf32>
    %dot_general3A_96 = tpu.matmul %reshape3A_91, %get3A_94, %dot_general3A_95 {dimension_numbers = #tpu.dot_dimension_numbers<[1], [0], [0], [1], [0, 0, 1, 1], [], []>, transpose_lhs_hint = false} : vector<1x64xf32>, vector<64x512xf32>, vector<1x512xf32> -> vector<1x512xf32>
    %add3A_97 = arith.addf %add3A_88, %dot_general3A_96 : vector<1x512xf32>
    %get3A_98 = arith.constant 576 : index
    %get3A_99 = vector.load %arg6[%get3A_98] : memref<1728xf32, #tpu.memory_space<vmem>>, vector<64xf32>
    %reshape3A_100 = vector.shape_cast %get3A_99 : vector<64xf32> to vector<1x64xf32>
    %get3A_101 = arith.constant 576 : index
    %get3A_102 = arith.constant 0 : index
    %get3A_103 = vector.load %arg7[%get3A_101, %get3A_102] : memref<1728x512xf32, #tpu.memory_space<vmem>>, vector<64x512xf32>
    %dot_general3A_104 = arith.constant dense<0.000000e+00> : vector<1x512xf32>
    %dot_general3A_105 = tpu.matmul %reshape3A_100, %get3A_103, %dot_general3A_104 {dimension_numbers = #tpu.dot_dimension_numbers<[1], [0], [0], [1], [0, 0, 1, 1], [], []>, transpose_lhs_hint = false} : vector<1x64xf32>, vector<64x512xf32>, vector<1x512xf32> -> vector<1x512xf32>
    %add3A_106 = arith.addf %add3A_97, %dot_general3A_105 : vector<1x512xf32>
    %get3A_107 = arith.constant 640 : index
    %get3A_108 = vector.load %arg6[%get3A_107] : memref<1728xf32, #tpu.memory_space<vmem>>, vector<64xf32>
    %reshape3A_109 = vector.shape_cast %get3A_108 : vector<64xf32> to vector<1x64xf32>
    %get3A_110 = arith.constant 640 : index
    %get3A_111 = arith.constant 0 : index
    %get3A_112 = vector.load %arg7[%get3A_110, %get3A_111] : memref<1728x512xf32, #tpu.memory_space<vmem>>, vector<64x512xf32>
    %dot_general3A_113 = arith.constant dense<0.000000e+00> : vector<1x512xf32>
    %dot_general3A_114 = tpu.matmul %reshape3A_109, %get3A_112, %dot_general3A_113 {dimension_numbers = #tpu.dot_dimension_numbers<[1], [0], [0], [1], [0, 0, 1, 1], [], []>, transpose_lhs_hint = false} : vector<1x64xf32>, vector<64x512xf32>, vector<1x512xf32> -> vector<1x512xf32>
    %add3A_115 = arith.addf %add3A_106, %dot_general3A_114 : vector<1x512xf32>
    %get3A_116 = arith.constant 704 : index
    %get3A_117 = vector.load %arg6[%get3A_116] : memref<1728xf32, #tpu.memory_space<vmem>>, vector<64xf32>
    %reshape3A_118 = vector.shape_cast %get3A_117 : vector<64xf32> to vector<1x64xf32>
    %get3A_119 = arith.constant 704 : index
    %get3A_120 = arith.constant 0 : index
    %get3A_121 = vector.load %arg7[%get3A_119, %get3A_120] : memref<1728x512xf32, #tpu.memory_space<vmem>>, vector<64x512xf32>
    %dot_general3A_122 = arith.constant dense<0.000000e+00> : vector<1x512xf32>
    %dot_general3A_123 = tpu.matmul %reshape3A_118, %get3A_121, %dot_general3A_122 {dimension_numbers = #tpu.dot_dimension_numbers<[1], [0], [0], [1], [0, 0, 1, 1], [], []>, transpose_lhs_hint = false} : vector<1x64xf32>, vector<64x512xf32>, vector<1x512xf32> -> vector<1x512xf32>
    %add3A_124 = arith.addf %add3A_115, %dot_general3A_123 : vector<1x512xf32>
    %get3A_125 = arith.constant 768 : index
    %get3A_126 = vector.load %arg6[%get3A_125] : memref<1728xf32, #tpu.memory_space<vmem>>, vector<64xf32>
    %reshape3A_127 = vector.shape_cast %get3A_126 : vector<64xf32> to vector<1x64xf32>
    %get3A_128 = arith.constant 768 : index
    %get3A_129 = arith.constant 0 : index
    %get3A_130 = vector.load %arg7[%get3A_128, %get3A_129] : memref<1728x512xf32, #tpu.memory_space<vmem>>, vector<64x512xf32>
    %dot_general3A_131 = arith.constant dense<0.000000e+00> : vector<1x512xf32>
    %dot_general3A_132 = tpu.matmul %reshape3A_127, %get3A_130, %dot_general3A_131 {dimension_numbers = #tpu.dot_dimension_numbers<[1], [0], [0], [1], [0, 0, 1, 1], [], []>, transpose_lhs_hint = false} : vector<1x64xf32>, vector<64x512xf32>, vector<1x512xf32> -> vector<1x512xf32>
    %add3A_133 = arith.addf %add3A_124, %dot_general3A_132 : vector<1x512xf32>
    %get3A_134 = arith.constant 832 : index
    %get3A_135 = vector.load %arg6[%get3A_134] : memref<1728xf32, #tpu.memory_space<vmem>>, vector<64xf32>
    %reshape3A_136 = vector.shape_cast %get3A_135 : vector<64xf32> to vector<1x64xf32>
    %get3A_137 = arith.constant 832 : index
    %get3A_138 = arith.constant 0 : index
    %get3A_139 = vector.load %arg7[%get3A_137, %get3A_138] : memref<1728x512xf32, #tpu.memory_space<vmem>>, vector<64x512xf32>
    %dot_general3A_140 = arith.constant dense<0.000000e+00> : vector<1x512xf32>
    %dot_general3A_141 = tpu.matmul %reshape3A_136, %get3A_139, %dot_general3A_140 {dimension_numbers = #tpu.dot_dimension_numbers<[1], [0], [0], [1], [0, 0, 1, 1], [], []>, transpose_lhs_hint = false} : vector<1x64xf32>, vector<64x512xf32>, vector<1x512xf32> -> vector<1x512xf32>
    %add3A_142 = arith.addf %add3A_133, %dot_general3A_141 : vector<1x512xf32>
    %get3A_143 = arith.constant 896 : index
    %get3A_144 = vector.load %arg6[%get3A_143] : memref<1728xf32, #tpu.memory_space<vmem>>, vector<64xf32>
    %reshape3A_145 = vector.shape_cast %get3A_144 : vector<64xf32> to vector<1x64xf32>
    %get3A_146 = arith.constant 896 : index
    %get3A_147 = arith.constant 0 : index
    %get3A_148 = vector.load %arg7[%get3A_146, %get3A_147] : memref<1728x512xf32, #tpu.memory_space<vmem>>, vector<64x512xf32>
    %dot_general3A_149 = arith.constant dense<0.000000e+00> : vector<1x512xf32>
    %dot_general3A_150 = tpu.matmul %reshape3A_145, %get3A_148, %dot_general3A_149 {dimension_numbers = #tpu.dot_dimension_numbers<[1], [0], [0], [1], [0, 0, 1, 1], [], []>, transpose_lhs_hint = false} : vector<1x64xf32>, vector<64x512xf32>, vector<1x512xf32> -> vector<1x512xf32>
    %add3A_151 = arith.addf %add3A_142, %dot_general3A_150 : vector<1x512xf32>
    %get3A_152 = arith.constant 960 : index
    %get3A_153 = vector.load %arg6[%get3A_152] : memref<1728xf32, #tpu.memory_space<vmem>>, vector<64xf32>
    %reshape3A_154 = vector.shape_cast %get3A_153 : vector<64xf32> to vector<1x64xf32>
    %get3A_155 = arith.constant 960 : index
    %get3A_156 = arith.constant 0 : index
    %get3A_157 = vector.load %arg7[%get3A_155, %get3A_156] : memref<1728x512xf32, #tpu.memory_space<vmem>>, vector<64x512xf32>
    %dot_general3A_158 = arith.constant dense<0.000000e+00> : vector<1x512xf32>
    %dot_general3A_159 = tpu.matmul %reshape3A_154, %get3A_157, %dot_general3A_158 {dimension_numbers = #tpu.dot_dimension_numbers<[1], [0], [0], [1], [0, 0, 1, 1], [], []>, transpose_lhs_hint = false} : vector<1x64xf32>, vector<64x512xf32>, vector<1x512xf32> -> vector<1x512xf32>
    %add3A_160 = arith.addf %add3A_151, %dot_general3A_159 : vector<1x512xf32>
    %get3A_161 = arith.constant 1024 : index
    %get3A_162 = vector.load %arg6[%get3A_161] : memref<1728xf32, #tpu.memory_space<vmem>>, vector<64xf32>
    %reshape3A_163 = vector.shape_cast %get3A_162 : vector<64xf32> to vector<1x64xf32>
    %get3A_164 = arith.constant 1024 : index
    %get3A_165 = arith.constant 0 : index
    %get3A_166 = vector.load %arg7[%get3A_164, %get3A_165] : memref<1728x512xf32, #tpu.memory_space<vmem>>, vector<64x512xf32>
    %dot_general3A_167 = arith.constant dense<0.000000e+00> : vector<1x512xf32>
    %dot_general3A_168 = tpu.matmul %reshape3A_163, %get3A_166, %dot_general3A_167 {dimension_numbers = #tpu.dot_dimension_numbers<[1], [0], [0], [1], [0, 0, 1, 1], [], []>, transpose_lhs_hint = false} : vector<1x64xf32>, vector<64x512xf32>, vector<1x512xf32> -> vector<1x512xf32>
    %add3A_169 = arith.addf %add3A_160, %dot_general3A_168 : vector<1x512xf32>
    %get3A_170 = arith.constant 1088 : index
    %get3A_171 = vector.load %arg6[%get3A_170] : memref<1728xf32, #tpu.memory_space<vmem>>, vector<64xf32>
    %reshape3A_172 = vector.shape_cast %get3A_171 : vector<64xf32> to vector<1x64xf32>
    %get3A_173 = arith.constant 1088 : index
    %get3A_174 = arith.constant 0 : index
    %get3A_175 = vector.load %arg7[%get3A_173, %get3A_174] : memref<1728x512xf32, #tpu.memory_space<vmem>>, vector<64x512xf32>
    %dot_general3A_176 = arith.constant dense<0.000000e+00> : vector<1x512xf32>
    %dot_general3A_177 = tpu.matmul %reshape3A_172, %get3A_175, %dot_general3A_176 {dimension_numbers = #tpu.dot_dimension_numbers<[1], [0], [0], [1], [0, 0, 1, 1], [], []>, transpose_lhs_hint = false} : vector<1x64xf32>, vector<64x512xf32>, vector<1x512xf32> -> vector<1x512xf32>
    %add3A_178 = arith.addf %add3A_169, %dot_general3A_177 : vector<1x512xf32>
    %get3A_179 = arith.constant 1152 : index
    %get3A_180 = vector.load %arg6[%get3A_179] : memref<1728xf32, #tpu.memory_space<vmem>>, vector<64xf32>
    %reshape3A_181 = vector.shape_cast %get3A_180 : vector<64xf32> to vector<1x64xf32>
    %get3A_182 = arith.constant 1152 : index
    %get3A_183 = arith.constant 0 : index
    %get3A_184 = vector.load %arg7[%get3A_182, %get3A_183] : memref<1728x512xf32, #tpu.memory_space<vmem>>, vector<64x512xf32>
    %dot_general3A_185 = arith.constant dense<0.000000e+00> : vector<1x512xf32>
    %dot_general3A_186 = tpu.matmul %reshape3A_181, %get3A_184, %dot_general3A_185 {dimension_numbers = #tpu.dot_dimension_numbers<[1], [0], [0], [1], [0, 0, 1, 1], [], []>, transpose_lhs_hint = false} : vector<1x64xf32>, vector<64x512xf32>, vector<1x512xf32> -> vector<1x512xf32>
    %add3A_187 = arith.addf %add3A_178, %dot_general3A_186 : vector<1x512xf32>
    %get3A_188 = arith.constant 1216 : index
    %get3A_189 = vector.load %arg6[%get3A_188] : memref<1728xf32, #tpu.memory_space<vmem>>, vector<64xf32>
    %reshape3A_190 = vector.shape_cast %get3A_189 : vector<64xf32> to vector<1x64xf32>
    %get3A_191 = arith.constant 1216 : index
    %get3A_192 = arith.constant 0 : index
    %get3A_193 = vector.load %arg7[%get3A_191, %get3A_192] : memref<1728x512xf32, #tpu.memory_space<vmem>>, vector<64x512xf32>
    %dot_general3A_194 = arith.constant dense<0.000000e+00> : vector<1x512xf32>
    %dot_general3A_195 = tpu.matmul %reshape3A_190, %get3A_193, %dot_general3A_194 {dimension_numbers = #tpu.dot_dimension_numbers<[1], [0], [0], [1], [0, 0, 1, 1], [], []>, transpose_lhs_hint = false} : vector<1x64xf32>, vector<64x512xf32>, vector<1x512xf32> -> vector<1x512xf32>
    %add3A_196 = arith.addf %add3A_187, %dot_general3A_195 : vector<1x512xf32>
    %get3A_197 = arith.constant 1280 : index
    %get3A_198 = vector.load %arg6[%get3A_197] : memref<1728xf32, #tpu.memory_space<vmem>>, vector<64xf32>
    %reshape3A_199 = vector.shape_cast %get3A_198 : vector<64xf32> to vector<1x64xf32>
    %get3A_200 = arith.constant 1280 : index
    %get3A_201 = arith.constant 0 : index
    %get3A_202 = vector.load %arg7[%get3A_200, %get3A_201] : memref<1728x512xf32, #tpu.memory_space<vmem>>, vector<64x512xf32>
    %dot_general3A_203 = arith.constant dense<0.000000e+00> : vector<1x512xf32>
    %dot_general3A_204 = tpu.matmul %reshape3A_199, %get3A_202, %dot_general3A_203 {dimension_numbers = #tpu.dot_dimension_numbers<[1], [0], [0], [1], [0, 0, 1, 1], [], []>, transpose_lhs_hint = false} : vector<1x64xf32>, vector<64x512xf32>, vector<1x512xf32> -> vector<1x512xf32>
    %add3A_205 = arith.addf %add3A_196, %dot_general3A_204 : vector<1x512xf32>
    %get3A_206 = arith.constant 1344 : index
    %get3A_207 = vector.load %arg6[%get3A_206] : memref<1728xf32, #tpu.memory_space<vmem>>, vector<64xf32>
    %reshape3A_208 = vector.shape_cast %get3A_207 : vector<64xf32> to vector<1x64xf32>
    %get3A_209 = arith.constant 1344 : index
    %get3A_210 = arith.constant 0 : index
    %get3A_211 = vector.load %arg7[%get3A_209, %get3A_210] : memref<1728x512xf32, #tpu.memory_space<vmem>>, vector<64x512xf32>
    %dot_general3A_212 = arith.constant dense<0.000000e+00> : vector<1x512xf32>
    %dot_general3A_213 = tpu.matmul %reshape3A_208, %get3A_211, %dot_general3A_212 {dimension_numbers = #tpu.dot_dimension_numbers<[1], [0], [0], [1], [0, 0, 1, 1], [], []>, transpose_lhs_hint = false} : vector<1x64xf32>, vector<64x512xf32>, vector<1x512xf32> -> vector<1x512xf32>
    %add3A_214 = arith.addf %add3A_205, %dot_general3A_213 : vector<1x512xf32>
    %get3A_215 = arith.constant 1408 : index
    %get3A_216 = vector.load %arg6[%get3A_215] : memref<1728xf32, #tpu.memory_space<vmem>>, vector<64xf32>
    %reshape3A_217 = vector.shape_cast %get3A_216 : vector<64xf32> to vector<1x64xf32>
    %get3A_218 = arith.constant 1408 : index
    %get3A_219 = arith.constant 0 : index
    %get3A_220 = vector.load %arg7[%get3A_218, %get3A_219] : memref<1728x512xf32, #tpu.memory_space<vmem>>, vector<64x512xf32>
    %dot_general3A_221 = arith.constant dense<0.000000e+00> : vector<1x512xf32>
    %dot_general3A_222 = tpu.matmul %reshape3A_217, %get3A_220, %dot_general3A_221 {dimension_numbers = #tpu.dot_dimension_numbers<[1], [0], [0], [1], [0, 0, 1, 1], [], []>, transpose_lhs_hint = false} : vector<1x64xf32>, vector<64x512xf32>, vector<1x512xf32> -> vector<1x512xf32>
    %add3A_223 = arith.addf %add3A_214, %dot_general3A_222 : vector<1x512xf32>
    %get3A_224 = arith.constant 1472 : index
    %get3A_225 = vector.load %arg6[%get3A_224] : memref<1728xf32, #tpu.memory_space<vmem>>, vector<64xf32>
    %reshape3A_226 = vector.shape_cast %get3A_225 : vector<64xf32> to vector<1x64xf32>
    %get3A_227 = arith.constant 1472 : index
    %get3A_228 = arith.constant 0 : index
    %get3A_229 = vector.load %arg7[%get3A_227, %get3A_228] : memref<1728x512xf32, #tpu.memory_space<vmem>>, vector<64x512xf32>
    %dot_general3A_230 = arith.constant dense<0.000000e+00> : vector<1x512xf32>
    %dot_general3A_231 = tpu.matmul %reshape3A_226, %get3A_229, %dot_general3A_230 {dimension_numbers = #tpu.dot_dimension_numbers<[1], [0], [0], [1], [0, 0, 1, 1], [], []>, transpose_lhs_hint = false} : vector<1x64xf32>, vector<64x512xf32>, vector<1x512xf32> -> vector<1x512xf32>
    %add3A_232 = arith.addf %add3A_223, %dot_general3A_231 : vector<1x512xf32>
    %get3A_233 = arith.constant 1536 : index
    %get3A_234 = vector.load %arg6[%get3A_233] : memref<1728xf32, #tpu.memory_space<vmem>>, vector<64xf32>
    %reshape3A_235 = vector.shape_cast %get3A_234 : vector<64xf32> to vector<1x64xf32>
    %get3A_236 = arith.constant 1536 : index
    %get3A_237 = arith.constant 0 : index
    %get3A_238 = vector.load %arg7[%get3A_236, %get3A_237] : memref<1728x512xf32, #tpu.memory_space<vmem>>, vector<64x512xf32>
    %dot_general3A_239 = arith.constant dense<0.000000e+00> : vector<1x512xf32>
    %dot_general3A_240 = tpu.matmul %reshape3A_235, %get3A_238, %dot_general3A_239 {dimension_numbers = #tpu.dot_dimension_numbers<[1], [0], [0], [1], [0, 0, 1, 1], [], []>, transpose_lhs_hint = false} : vector<1x64xf32>, vector<64x512xf32>, vector<1x512xf32> -> vector<1x512xf32>
    %add3A_241 = arith.addf %add3A_232, %dot_general3A_240 : vector<1x512xf32>
    %get3A_242 = arith.constant 1600 : index
    %get3A_243 = vector.load %arg6[%get3A_242] : memref<1728xf32, #tpu.memory_space<vmem>>, vector<64xf32>
    %reshape3A_244 = vector.shape_cast %get3A_243 : vector<64xf32> to vector<1x64xf32>
    %get3A_245 = arith.constant 1600 : index
    %get3A_246 = arith.constant 0 : index
    %get3A_247 = vector.load %arg7[%get3A_245, %get3A_246] : memref<1728x512xf32, #tpu.memory_space<vmem>>, vector<64x512xf32>
    %dot_general3A_248 = arith.constant dense<0.000000e+00> : vector<1x512xf32>
    %dot_general3A_249 = tpu.matmul %reshape3A_244, %get3A_247, %dot_general3A_248 {dimension_numbers = #tpu.dot_dimension_numbers<[1], [0], [0], [1], [0, 0, 1, 1], [], []>, transpose_lhs_hint = false} : vector<1x64xf32>, vector<64x512xf32>, vector<1x512xf32> -> vector<1x512xf32>
    %add3A_250 = arith.addf %add3A_241, %dot_general3A_249 : vector<1x512xf32>
    %get3A_251 = arith.constant 1664 : index
    %get3A_252 = vector.load %arg6[%get3A_251] : memref<1728xf32, #tpu.memory_space<vmem>>, vector<64xf32>
    %reshape3A_253 = vector.shape_cast %get3A_252 : vector<64xf32> to vector<1x64xf32>
    %get3A_254 = arith.constant 1664 : index
    %get3A_255 = arith.constant 0 : index
    %get3A_256 = vector.load %arg7[%get3A_254, %get3A_255] : memref<1728x512xf32, #tpu.memory_space<vmem>>, vector<64x512xf32>
    %dot_general3A_257 = arith.constant dense<0.000000e+00> : vector<1x512xf32>
    %dot_general3A_258 = tpu.matmul %reshape3A_253, %get3A_256, %dot_general3A_257 {dimension_numbers = #tpu.dot_dimension_numbers<[1], [0], [0], [1], [0, 0, 1, 1], [], []>, transpose_lhs_hint = false} : vector<1x64xf32>, vector<64x512xf32>, vector<1x512xf32> -> vector<1x512xf32>
    %add3A_259 = arith.addf %add3A_250, %dot_general3A_258 : vector<1x512xf32>
    %get3A_260 = arith.constant 0 : index
    %get3A_261 = arith.constant 0 : index
    %get3A_262 = vector.load %arg8[%get3A_260, %get3A_261] : memref<1x512xf32, #tpu.memory_space<vmem>>, vector<1x512xf32>
    %add3A_263 = arith.addf %add3A_259, %get3A_262 : vector<1x512xf32>
    %ge3A = arith.constant 0.000000e+00 : f32
    %ge3A_264 = vector.broadcast %ge3A : f32 to vector<1x512xf32>
    %ge3A_265 = arith.cmpf oge, %add3A_263, %ge3A_264 : vector<1x512xf32>
    %mul3A = arith.constant 0.00999999977 : f32
    %mul3A_266 = vector.broadcast %mul3A : f32 to vector<1x512xf32>
    %mul3A_267 = arith.mulf %mul3A_266, %add3A_263 : vector<1x512xf32>
    %select_n3A = arith.select %ge3A_265, %add3A_263, %mul3A_267 : vector<1x512xi1>, vector<1x512xf32>
    %dma_wait3A_268 = arith.constant 1 : i32
    %dma_wait3A_269 = tpu.memref_slice %arg11[%dma_wait3A_268] : memref<5x!tpu.dma_semaphore, #tpu.memory_space<semaphore_mem>> -> memref<1x!tpu.dma_semaphore, #tpu.memory_space<semaphore_mem>>
    %dma_wait3A_270 = tpu.memref_squeeze %dma_wait3A_269 : memref<1x!tpu.dma_semaphore, #tpu.memory_space<semaphore_mem>> -> memref<!tpu.dma_semaphore, #tpu.memory_space<semaphore_mem>>
    tpu.wait_dma2 semaphore(%dma_wait3A_270 : memref<!tpu.dma_semaphore, #tpu.memory_space<semaphore_mem>>) src(%arg3 : memref<512x512xf32, #tpu.memory_space<any>>) dst(%arg9 : memref<512x512xf32, #tpu.memory_space<vmem>>)
    %dma_wait3A_271 = arith.constant 3 : i32
    %dma_wait3A_272 = tpu.memref_slice %arg11[%dma_wait3A_271] : memref<5x!tpu.dma_semaphore, #tpu.memory_space<semaphore_mem>> -> memref<1x!tpu.dma_semaphore, #tpu.memory_space<semaphore_mem>>
    %dma_wait3A_273 = tpu.memref_squeeze %dma_wait3A_272 : memref<1x!tpu.dma_semaphore, #tpu.memory_space<semaphore_mem>> -> memref<!tpu.dma_semaphore, #tpu.memory_space<semaphore_mem>>
    tpu.wait_dma2 semaphore(%dma_wait3A_273 : memref<!tpu.dma_semaphore, #tpu.memory_space<semaphore_mem>>) src(%arg4 : memref<1x512xf32, #tpu.memory_space<any>>) dst(%arg10 : memref<1x512xf32, #tpu.memory_space<vmem>>)
    %get3A_274 = arith.constant 0 : index
    %get3A_275 = arith.constant 0 : index
    %get3A_276 = vector.load %arg9[%get3A_274, %get3A_275] : memref<512x512xf32, #tpu.memory_space<vmem>>, vector<512x512xf32>
    %dot_general3A_277 = arith.constant dense<0.000000e+00> : vector<1x512xf32>
    %dot_general3A_278 = tpu.matmul %select_n3A, %get3A_276, %dot_general3A_277 {dimension_numbers = #tpu.dot_dimension_numbers<[1], [0], [0], [1], [0, 0, 1, 1], [], []>, transpose_lhs_hint = false} : vector<1x512xf32>, vector<512x512xf32>, vector<1x512xf32> -> vector<1x512xf32>
    %get3A_279 = arith.constant 0 : index
    %get3A_280 = arith.constant 0 : index
    %get3A_281 = vector.load %arg10[%get3A_279, %get3A_280] : memref<1x512xf32, #tpu.memory_space<vmem>>, vector<1x512xf32>
    %add3A_282 = arith.addf %dot_general3A_278, %get3A_281 : vector<1x512xf32>
    %swap3A = arith.constant 0 : index
    %swap3A_283 = arith.constant 0 : index
    %swap3A_284 = vector.load %arg5[%swap3A, %swap3A_283] : memref<1x512xf32, #tpu.memory_space<vmem>>, vector<1x512xf32>
    tpu.vector_store %arg5[%swap3A, %swap3A_283], %add3A_282 {strides = array<i32>} : memref<1x512xf32, #tpu.memory_space<vmem>>, vector<1x512xf32>,
    return
  }
}

</mosaic_0001>

<sc_bundles>
// kernel: kernel.4.cloned.1.call-start
scs
__scs_entry_jumppad:
0x0: {  	(pc) =	sbr.rel $0x88, $3  }
0x1: {  	(tag) =	ssettag $0x0;
	lr =	simm.s32 $0x1  }
0x2: {  	[smem:$0x3F99] =	sst lr;
	_ =	strace $0xD0000000  }
0x3: {  	_ = 	snop  }
0x4: {  	_ = 	snop  }
0x5: {  	_ = 	snop  }
0x6: {  	_ = 	snop  }
0x7: {  	_ = 	snop  }
__scs_overlays_trampoline_lowered:
0x8: {  	[smem:$0x3FA8] =	sst s0  }
0x9: {  	[smem:$0x3FA9] =	sst s1  }
0xa: {  	[smem:$0x3FAA] =	sst s2  }
0xb: {  	[smem:$0x3FAB] =	sst s3  }
0xc: {  	[smem:$0x3FAC] =	sst s4  }
0xd: {  	[smem:$0x3FAD] =	sst s5  }
0xe: {  	[smem:$0x3FAE] =	sst s6  }
0xf: {  	[smem:$0x3FAF] =	sst s7  }
0x10: {  	[smem:$0x3FB0] =	sst s8  }
0x11: {  	[smem:$0x3FB1] =	sst s9;
	s0 =	simm.s32 @!p0 $0x0  }
0x12: {  	s1 =	sld [smem:$0x3F97];
	s0 =	simm.s32 @p0 $0x1  }
0x13: {  	[smem:$0x3FB2] =	sst s0;
	s0 =	simm.s32 @!p1 $0x0  }
0x14: {  	s2 =	sld [smem:$0x3F96];
	s0 =	simm.s32 @p1 $0x1  }
0x15: {  	[smem:$0x3FB3] =	sst s0;
	s0 =	simm.s32 @!p2 $0x0  }
0x16: {  	s3 =	sld [smem:$0x3FDB];
	s0 =	simm.s32 @p2 $0x1  }
0x17: {  	s4 =	simm.s32 $0x1BF5;
	[smem:$0x3FB5] =	sst s0  }
0x18: {  	s0 =	sld [smem:$0x3F98];
	_ =	swait.ge [sflag:s4], $0x0  }
0x19: {  	s7 =	sld [smem:$0x3F99]  }
0x1a: {  	s8 =	sadd.s32 $0xFFFFE003, lr  }
0x1b: {  	s9 =	sadd.s32 $0xFFFFFEF7, lr;
	s5 =	simm.s32 $0xFFFFFFFF;
	p2 =	slt.u32 s8, $0xFFFFF086  }
0x1c: {  	p1 =	slt.u32 s9, $0xF7A;
	s5 =	simm.s32 @!p2 $0x0  }
0x1d: {  	s5 =	simm.s32 @p1 $0x1;
	p0 =	seq.s32 s7, s2  }
0x1e: {  	s7 =	smul.u32 @!p0 $0xF7A, s2;
	p2 =	seq.s32 @!p0 s5, $0x0  }
0x1f: {  	s9 =	smul.u32 $0xF7A, s1;
	s8 =	simm.s32 @!p0 $0x1BF5;
	p2 =	por !p2, p0  }
0x20: {  	[sflag:s8] =	ssyncset.s32 @!p0 $0xFFFFF086;
	s6 =	sadd.s32 @!p0 s3, s7;
	s7 =	simm.s32 @!p0 $0x108  }
0x21: {  	s3 =	sadd.s32 s3, s9;
	s6 =	sadd.s32 @!p0 $0x88, s6;
	s7 =	simm.s32 @p2 $0x1082  }
0x22: {  	[simem:s7], [sflag:s8] =	dma.local @!p0 [hbm:s6], $0xF7A  }
0x23: {  	s9 =	sor.u32 $0xD0000000, s2;
	s6 =	simm.s32 $0x108;
	_ =	swait.ge @!p0 [sflag:s8], $0x0  }
0x24: {  	s3 =	sadd.s32 $0x88, s3;
	s6 =	simm.s32 @!p1 $0x1082;
	[sflag:s4] =	ssyncset.s32 $0xFFFFF086  }
0x25: {  	[simem:s6], [sflag:s4] =	dma.local [hbm:s3], $0xF7A  }
0x26: {  	[smem:$0x3F99] =	sst s1;
	(tag) =	ssettag s2;
	_ =	strace s9  }
0x27: {  	s1 =	sld [smem:$0x3FA9]  }
0x28: {  	s2 =	sld [smem:$0x3FAA]  }
0x29: {  	s4 =	sld [smem:$0x3FAC]  }
0x2a: {  	p0 =	seq.s32 s5, $0x0;
	s5 =	sld [smem:$0x3FAD]  }
0x2b: {  	s6 =	sld [smem:$0x3FAE]  }
0x2c: {  	s7 =	sld [smem:$0x3FAF]  }
0x2d: {  	s3 =	simm.s32 $0x108;
	s8 =	sld [smem:$0x3FB0]  }
0x2e: {  	s3 =	simm.s32 @!p0 $0x1082;
	s9 =	sld [smem:$0x3FB1]  }
0x2f: {  	lr =	sadd.s32 s0, s3;
	s0 =	sld [smem:$0x3FA8]  }
0x30: {  	s3 =	sld [smem:$0x3FAB]  }
0x31: {  	[smem:$0x3FB4] =	sst s10  }
0x32: {  	s10 =	sld [smem:$0x3FB2];
	_ =	sdelay $0x3  }
0x33: {  	p0 =	seq.s32 s10, $0x1;
	s10 =	sld [smem:$0x3FB4];
	_ =	sdelay $0x3  }
0x34: {  	[smem:$0x3FB4] =	sst s10  }
0x35: {  	s10 =	sld [smem:$0x3FB3];
	_ =	sdelay $0x3  }
0x36: {  	p1 =	seq.s32 s10, $0x1;
	s10 =	sld [smem:$0x3FB4];
	_ =	sdelay $0x3  }
0x37: {  	[smem:$0x3FB4] =	sst s10  }
0x38: {  	s10 =	sld [smem:$0x3FB5]  }
0x39: {  	_ = 	snop;
	(pc) =	sbr.ind lr, $3  }
0x3a: {  	_ = 	snop  }
0x3b: {  	_ = 	snop  }
0x3c: {  	p2 =	seq.s32 s10, $0x1;
	s10 =	sld [smem:$0x3FB4]  }
0x3d: {  	_ =	shalt  }
0x3e: {  	_ =	shalt  }
0x3f: {  	_ =	shalt  }
0x40: {  	_ =	shalt  }
0x41: {  	_ =	shalt  }
0x42: {  	_ =	shalt  }
0x43: {  	_ =	shalt  }
0x44: {  	_ =	shalt  }
0x45: {  	_ =	shalt  }
0x46: {  	_ =	shalt  }
0x47: {  	_ =	shalt  }
0x48: {  	_ =	shalt  }
0x49: {  	_ =	shalt  }
0x4a: {  	_ =	shalt  }
0x4b: {  	_ =	shalt  }
0x4c: {  	_ =	shalt  }
0x4d: {  	_ =	shalt  }
0x4e: {  	_ =	shalt  }
0x4f: {  	_ =	shalt  }
0x50: {  	_ =	shalt  }
0x51: {  	_ =	shalt  }
0x52: {  	_ =	shalt  }
0x53: {  	_ =	shalt  }
0x54: {  	_ =	shalt  }
0x55: {  	_ =	shalt  }
0x56: {  	_ =	shalt  }
0x57: {  	_ =	shalt  }
0x58: {  	_ =	shalt  }
0x59: {  	_ =	shalt  }
0x5a: {  	_ =	shalt  }
0x5b: {  	_ =	shalt  }
0x5c: {  	_ =	shalt  }
0x5d: {  	_ =	shalt  }
0x5e: {  	_ =	shalt  }
0x5f: {  	_ =	shalt  }
0x60: {  	_ =	shalt  }
0x61: {  	_ =	shalt  }
0x62: {  	_ =	shalt  }
0x63: {  	_ =	shalt  }
0x64: {  	_ =	shalt  }
0x65: {  	_ =	shalt  }
0x66: {  	_ =	shalt  }
0x67: {  	_ =	shalt  }
0x68: {  	_ =	shalt  }
0x69: {  	_ =	shalt  }
0x6a: {  	_ =	shalt  }
0x6b: {  	_ =	shalt  }
0x6c: {  	_ =	shalt  }
0x6d: {  	_ =	shalt  }
0x6e: {  	_ =	shalt  }
0x6f: {  	_ =	shalt  }
0x70: {  	_ =	shalt  }
0x71: {  	_ =	shalt  }
0x72: {  	_ =	shalt  }
0x73: {  	_ =	shalt  }
0x74: {  	_ =	shalt  }
0x75: {  	_ =	shalt  }
0x76: {  	_ =	shalt  }
0x77: {  	_ =	shalt  }
0x78: {  	_ =	shalt  }
0x79: {  	_ =	shalt  }
0x7a: {  	_ =	shalt  }
0x7b: {  	_ =	shalt  }
0x7c: {  	_ =	shalt  }
0x7d: {  	_ =	shalt  }
0x7e: {  	_ =	shalt  }
0x7f: {  	_ =	shalt  }
0x80: {  	_ =	shalt  }
0x81: {  	_ =	shalt  }
0x82: {  	_ =	shalt  }
0x83: {  	_ =	shalt  }
0x84: {  	_ =	shalt  }
0x85: {  	_ =	shalt  }
0x86: {  	_ =	shalt  }
0x87: {  	_ =	shalt  }
.Lfunc_end0:
.L_simem_size_0:
called_computation_lowered:
.L_overlay_start_0:
0x88: {  	s2 =	sld [smem:$0x3FD9]  }
0x89: {  	s3 =	sld [smem:$0x3FFE];
	_ =	sdelay $0x1  }
0x8a: {  	s1 =	srdreg.scid  }
0x8b: {  	s0 =	sand.u32 $0x1, s1  }
0x8c: {  	s17 =	sshll.u32 s0, $0xA;
	s2 =	sadd.s32 s3, s2  }
0x8d: {  	s2 =	sadd.s32 s2, s17  }
0x8e: {  	[smem:$0x3FC0] =	sst s2  }
0x8f: {  	_ = 	snop  }
0x90: {  	s2 =	sld [smem:$0x3FC7]  }
0x91: {  	s18 =	sld [smem:$0x3FC6]  }
0x92: {  	s4 =	sld [smem:$0x3FD0];
	(tm) =	ssettm $0x1  }
0x93: {  	s5 =	sld [smem:$0x3FFB];
	_ =	sdelay $0x3  }
0x94: {  	_ =	strace s5  }
0x95: {  	s5 =	sld [smem:$0x3FFC];
	_ =	sdelay $0x3  }
0x96: {  	_ =	strace s5  }
0x97: {  	s5 =	sld [smem:$0x3FFD];
	_ =	sdelay $0x3  }
0x98: {  	_ =	strace s5  }
0x99: {  	_ =	strace $0x8FFFFFFF  }
0x9a: {  	s19 =	sld [smem:$0x3FDB];
	_ =	sdelay $0x1  }
0x9b: {  	s6 =	simm.s32 $_scs_section_size  }
0x9c: {  	s7 =	simm.s32 $_size__tile_overlayer_lowered;
	s8 =	simm.s32 $_tile_overlayer_lowered  }
0x9d: {  	s22 =	simm.s32 $0x1BFF;
	s21 =	sshll.u32 s8, $0x1;
	s5 =	sadd.s32 s6, s19  }
0x9e: {  	s9 =	simm.s32 $0x0;
	s20 =	sshll.u32 s7, $0x1;
	s7 =	sadd.s32 s21, s5  }
0x9f: {  	[timem:s9], [sflag:s22] =	dma.local [hbm:s7], s20  }
0xa0: {  	_ =	swait.ge [sflag:s22], s20  }
0xa1: {  	s6 =	ssub.s32 $0x0, s20;
	[sflag:s22] =	ssyncset.done $0x0  }
0xa2: {  	[sflag:s22] =	ssyncadd.s32 s6;
	_ =	sdelay $0x1  }
0xa3: {  	s23 =	simm.s32 $0x1B8B  }
0xa4: {  	_ =	swait.ge [sflag:s23], $0x1  }
0xa5: {  	[sflag:s23] =	ssyncset.done $0x0  }
0xa6: {  	s25 =	simm.s32 $0x1B8E;
	s24 =	sld [smem:$0x3FFE];
	[sflag:s23] =	ssyncadd.s32 $0xFFFFFFFF  }
0xa7: {  	s26 =	simm.s32 $execute0_lowered;
	[smem:$0x3FD2] =	sst s25  }
0xa8: {  	s7 =	sshll.u32 s26, $0x1;
	_ =	strace $0x80000046;
	[dreg:$0x1] =	wrdreg $0xFFFFFFFF  }
0xa9: {  	s28 =	simm.s32 $_size_execute0_lowered;
	s5 =	sadd.s32 s5, s7;
	[dreg:$0x0] =	wrdreg $0x0  }
0xaa: {  	s7 =	sshll.u32 s28, $0x1;
	[dreg:$0x2] =	wrdreg s5  }
0xab: {  	[dreg:$0x3] =	wrdreg s7  }
0xac: {  	[dreg:$0x4] =	wrdreg $0xC0  }
0xad: {  	_ =	task [dreg:s9], $0x5FFFF  }
0xae: {  	[dreg:$0x1] =	wrdreg $0xFFFFFFFF  }
0xaf: {  	[dreg:$0x0] =	wrdreg $0x60  }
0xb0: {  	[dreg:$0x2] =	wrdreg s4  }
0xb1: {  	[dreg:$0x3] =	wrdreg s2  }
0xb2: {  	[dreg:$0x4] =	wrdreg s18  }
0xb3: {  	[dreg:$0x5] =	wrdreg s24  }
0xb4: {  	[dreg:$0x6] =	wrdreg $0x9  }
0xb5: {  	_ =	task.clear_ibuf [dreg:s9], $0x7FFFF;
	_ =	strace $0x90000046  }
0xb6: {  	s29 =	simm.s32 $0x9;
	_ =	strace $0x80000048  }
0xb7: {  	_ =	swait.ge [sflag:s29], $0x1  }
0xb8: {  	[sflag:s29] =	ssyncadd.s32 $0xFFFFFFFF  }
0xb9: {  	_ =	strace $0x90000048  }
0xba: {  	_ =	sfence  }
0xbb: {  	s30 =	sld [smem:$0x0];
	_ =	sdelay $0x2  }
0xbc: {  	s31 =	sshll.u32 s1, $0xD;
	s1 =	sshrl.u32 s1, $0x2  }
0xbd: {  	s3 =	sand.u32 $0x4000, s31;
	s1 =	sadd.s32 s1, s30  }
0xbe: {  	s0 =	sor.u32 s3, s0;
	s1 =	sshll.u32 s1, $0x11  }
0xbf: {  	s0 =	sor.u32 s1, s0  }
0xc0: {  	s0 =	sadd.s32 $0x8F2B, s0  }
0xc1: {  	[sflag:s0] =	ssyncadd.remote.s32 $0x1  }
0xc2: {  	_ =	sfence.sel $0xFFFF  }
0xc3: {  	[dreg:$0x0] =	wrdreg $0xFFFFFFFF;
	(pc) =	sbr.abs _section_cstart, $3  }
0xc4: {  	[dreg:$0x1] =	wrdreg $0xFFFFFFFF  }
0xc5: {  	_ =	task.clear_ibuf [dreg:s9], $0x2FFFF;
	_ =	strace $0x9FFFFFFF  }
0xc6: {  	(tm) =	ssettm $0x7FFFFFFF  }
0xc7: {  	_ =	shalt  }
tec
execute0_lowered:
.L_overlay_start_1:
0x0: {  	(tag) =	ssettag $0x1  }
0x1: {  	s1 =	srdreg.scid;
	s0 =	stileid.u32  }
0x2: {  	s16 =	sand.u32 $0x1, s1;
	s6 =	sshll.u32 s0, $0x1  }
0x3: {  	s17 =	sor.u32 s16, s6  }
0x4: {  	s2 =	rddreg [dreg:$0x0];
	p0 =	sgt.u32 s17, $0x1A  }
.Ltmp0:
0x5: {  	s3 =	rddreg [dreg:$0x1];
	(pc) =	sbr.rel @p0 .LBB2_4-.Ltmp0, $4  }
0x6: {  	s4 =	rddreg [dreg:$0x2]  }
0x7: {  	s15 =	rddreg [dreg:$0x3];
	s5 =	simm.s32 $0x0  }
0x8: {  	[smem:$0x7FF] =	sst s5  }
0x9: {  	s1 =	rddreg [dreg:$0x4];
	_ =	strace $0x80000047  }
0xa: {  	s6 =	simm.s32 $0x1  }
0xb: {  	[tilespmem:s5], [sflag:$0x1] =	stream.linear.gather [hbm4b:s2+s5], $0x80, $0x38;
	[tilespmem:$0x2100] =	vst v63  }
0xc: {  	_ =	swait.ge [sflag:s6], $0x80  }
0xd: {  	[sflag:s6] =	ssyncset.done $0x0  }
0xe: {  	[sflag:s6] =	ssyncadd.s32 $0xFFFFFF80  }
0xf: {  	v0 =	vld [tilespmem:$0x0]  }
0x10: {  	v1 =	vld [tilespmem:$0x10];
	_ =	sdelay $0x1  }
0x11: {  	v2 =	vmov s17;
	s7 =	sadd.s32 $0xFFFFFFF0, s17;
	v3 =	vlaneseq.u32  }
0x12: {  	v4 =	vmov s7;
	vm0 =	veq.s32 v2, v3  }
0x13: {  	vm1 =	veq.s32 v4, v3;
	v0 =	vnsel vm0, $0x0, v0  }
0x14: {  	v1 =	vnsel vm1, $0x0, v1;
	(xrf0) =	vadd.scan.msk.s32 $0xffff, v0  }
0x15: {  	(xrf0) =	vadd.scan.msk.s32 $0xffff, v1;
	_ =	sdelay $0x4  }
0x16: {  	v0, _, _ =	vpop (xrf0)  }
0x17: {  	(v2sf) =	vpush v0, $0xF;
	v0, _, _ =	vpop (xrf0)  }
0x18: {  	(v2sf) =	vpush v0, $0xF;
	_ =	sdelay $0xd  }
0x19: {  	s28 =	spop (v2sf)  }
0x1a: {  	s8 =	spop (v2sf)  }
0x1b: {  	s8 =	sadd.s32 s28, s8  }
0x1c: {  	s7 =	sshra.s32 s8, $0x1F  }
0x1d: {  	s7 =	sshrl.u32 s7, $0x19  }
0x1e: {  	s7 =	sadd.s32 s7, s8  }
0x1f: {  	s9 =	sand.u32 $0xFFFFFF80, s7  }
0x20: {  	p0 =	slt.s32 s8, $0x1;
	p1 =	sne.s32 s8, s9  }
0x21: {  	p0 =	por !p0, !p1  }
0x22: {  	s9 =	simm.s32 $0x1;
	p0 =	por !p0, !p0  }
0x23: {  	s10 =	smul.u32 $0x61C000, s17;
	s7 =	sshra.s32 s7, $0x7;
	s9 =	simm.s32 @!p0 $0x0  }
0x24: {  	p0 =	sne.s32 s17, $0x0;
	s9 =	ssub.s32 s7, s9  }
0x25: {  	s18 =	sand.u32 $0x7F, s8;
	s7 =	sadd.s32 $0xFF9E4000, s10;
	s10 =	sshll.u32 @p0 s9, $0xA  }
0x26: {  	s8 =	simm.s32 @!p0 $0x80;
	s11 =	sshll.u32 @!p0 s9, $0x7;
	s10 =	sadd.s32 @p0 s10, s7  }
0x27: {  	s9 =	simm.s32 @p0 $0x80;
	s13 =	sand.u32 @!p0 $0x1FFFFF80, s11;
	s12 =	sshrl.u32 @p0 s10, $0x3  }
0x28: {  	v0 =	vmul.u32 $0x80, v3;
	s11 =	simm.s32 @p0 $0xC3800;
	s10 =	simm.s32 @p0 $0x400;
	s12 =	sadd.s32 @p0 s4, s12  }
0x29: {  	[tilespmem:s9], [sflag:$0x1] =	stream.strided.gather @p0 [hbm4b:s12+s10], $0x2000, s11, s10, $0x38;
	[tilespmem:$0x2100] =	vst v63  }
0x2a: {  	v2 =	vor.u32 s18, v0;
	s14 =	sadd.s32 @!p0 s3, s13;
	s13 =	simm.s32 @!p0 $0x400;
	s12 =	simm.s32 @!p0 $0x7A1400  }
0x2b: {  	[tilespmem:s8], [sflag:$0x1] =	stream.strided.gather @!p0 [hbm4b:s14+s13], $0x2000, s12, s13, $0x38;
	[tilespmem:$0x2100] =	vst v63  }
0x2c: {  	_ =	swait.ge [sflag:s6], $0x2000  }
0x2d: {  	[sflag:s6] =	ssyncset.done $0x0  }
0x2e: {  	s14 =	simm.s32 $0x80;
	[sflag:s6] =	ssyncadd.s32 $0xFFFFE000  }
0x2f: {  	v1 =	vor.u32 $0x800, v0;
	v2 =	vld.idx.msk [tilespmem:v2+s14+$0x0], $0xffff  }
0x30: {  	v3 =	vor.u32 s18, v1;
	_ =	sdelay $0x3  }
0x31: {  	[tilespmem:$0x2080] =	vst v2  }
0x32: {  	v2 =	vor.u32 $0x1000, v0;
	v3 =	vld.idx.msk [tilespmem:v3+s14+$0x0], $0xffff  }
0x33: {  	v4 =	vor.u32 s18, v2;
	_ =	sdelay $0x3  }
0x34: {  	[tilespmem:$0x2090] =	vst v3  }
0x35: {  	v3 =	vor.u32 $0x1800, v0;
	v4 =	vld.idx.msk [tilespmem:v4+s14+$0x0], $0xffff  }
0x36: {  	v5 =	vor.u32 s18, v3;
	_ =	sdelay $0x1  }
0x37: {  	s16 =	ssub.s32 $0x2, s16  }
0x38: {  	s29 =	sshrl.u32 s16, $0x1  }
0x39: {  	s16 =	ssub.s32 s16, s29;
	[tilespmem:$0x20A0] =	vst v4  }
0x3a: {  	s31 =	smax.u32 s16, $0x1;
	v4 =	vld.idx.msk [tilespmem:v5+s14+$0x0], $0xffff  }
0x3b: {  	s30 =	sshll.u32 s17, $0x3;
	s17 =	sadd.s32 $0xFFFFFFFF, s31  }
0x3c: {  	p1 =	sne.s32 s17, $0x0  }
.Ltmp1:
0x3d: {  	_ = 	snop;
	(pc) =	sbr.rel @!p1 .LBB2_3-.Ltmp1, $4  }
0x3e: {  	s15 =	sadd.s32 s30, s15  }
0x3f: {  	s15 =	sadd.s32 $0xE00, s15;
	s16 =	simm.s32 $0x2080;
	[tilespmem:$0x20B0] =	vst v4  }
0x40: {  	[hbm4b:s15+s5] =	stream.linear.scatter [tilespmem:s16], [sflag:$0x1], $0x40, $0x38;
	[tilespmem:$0x2100] =	vst v63  }
0x41: {  	_ =	swait.ge [sflag:s6], $0x40  }
.LBB2_2:
0x42: {  	s17 =	sadd.s32 $0xFFFFFFFF, s17;
	[sflag:s6] =	ssyncset.done $0x0  }
0x43: {  	p1 =	sne.s32 s17, $0x0;
	[sflag:s6] =	ssyncadd.s32 $0xFFFFFFC0  }
0x44: {  	[tilespmem:s5], [sflag:$0x1] =	stream.linear.gather [hbm4b:s2+s5], $0x80, $0x38;
	[tilespmem:$0x2100] =	vst v63  }
0x45: {  	_ =	swait.ge [sflag:s6], $0x80  }
0x46: {  	[sflag:s6] =	ssyncset.done $0x0  }
0x47: {  	[sflag:s6] =	ssyncadd.s32 $0xFFFFFF80  }
0x48: {  	v4 =	vld [tilespmem:$0x0]  }
0x49: {  	v5 =	vld [tilespmem:$0x10];
	_ =	sdelay $0x3  }
0x4a: {  	v4 =	vnsel vm0, $0x0, v4  }
0x4b: {  	v5 =	vnsel vm1, $0x0, v5;
	(xrf0) =	vadd.scan.msk.s32 $0xffff, v4  }
0x4c: {  	(xrf0) =	vadd.scan.msk.s32 $0xffff, v5;
	_ =	sdelay $0x4  }
0x4d: {  	v4, _, _ =	vpop (xrf0)  }
0x4e: {  	(v2sf) =	vpush v4, $0xF;
	v4, _, _ =	vpop (xrf0)  }
0x4f: {  	(v2sf) =	vpush v4, $0xF;
	_ =	sdelay $0xd  }
0x50: {  	s18 =	spop (v2sf)  }
0x51: {  	s19 =	spop (v2sf)  }
0x52: {  	s19 =	sadd.s32 s18, s19  }
0x53: {  	s20 =	sshra.s32 s19, $0x1F;
	s18 =	sand.u32 $0x7F, s19  }
0x54: {  	s20 =	sshrl.u32 s20, $0x19  }
0x55: {  	s20 =	sadd.s32 s20, s19  }
0x56: {  	p2 =	slt.s32 s19, $0x1;
	s21 =	sand.u32 $0xFFFFFF80, s20  }
0x57: {  	p3 =	sne.s32 s19, s21  }
0x58: {  	p2 =	por !p2, !p3  }
0x59: {  	s19 =	sshra.s32 s20, $0x7;
	s20 =	simm.s32 $0x1;
	p2 =	por !p2, !p2  }
0x5a: {  	s20 =	simm.s32 @!p2 $0x0  }
0x5b: {  	s19 =	ssub.s32 s19, s20  }
0x5c: {  	s20 =	sshll.u32 @p0 s19, $0xA;
	s19 =	sshll.u32 @!p0 s19, $0x7  }
0x5d: {  	s20 =	sadd.s32 @p0 s20, s7;
	s19 =	sand.u32 @!p0 $0x1FFFFF80, s19  }
0x5e: {  	s20 =	sshrl.u32 @p0 s20, $0x3  }
0x5f: {  	s19 =	sadd.s32 @!p0 s3, s19;
	s20 =	sadd.s32 @p0 s4, s20  }
0x60: {  	v4 =	vor.u32 s18, v0;
	[tilespmem:s9], [sflag:$0x1] =	stream.strided.gather @p0 [hbm4b:s20+s10], $0x2000, s11, s10, $0x38;
	[tilespmem:$0x2100] =	vst v63  }
0x61: {  	_ = 	snop  }
0x62: {  	[tilespmem:s8], [sflag:$0x1] =	stream.strided.gather @!p0 [hbm4b:s19+s13], $0x2000, s12, s13, $0x38;
	[tilespmem:$0x2100] =	vst v63  }
0x63: {  	_ =	swait.ge [sflag:s6], $0x2000  }
0x64: {  	[sflag:s6] =	ssyncset.done $0x0  }
0x65: {  	[sflag:s6] =	ssyncadd.s32 $0xFFFFE000  }
0x66: {  	v4 =	vld.idx.msk [tilespmem:v4+s14+$0x0], $0xffff  }
0x67: {  	v5 =	vor.u32 s18, v1;
	_ =	sdelay $0x4  }
0x68: {  	[tilespmem:$0x2080] =	vst v4  }
0x69: {  	v4 =	vld.idx.msk [tilespmem:v5+s14+$0x0], $0xffff  }
0x6a: {  	v5 =	vor.u32 s18, v2;
	_ =	sdelay $0x4  }
0x6b: {  	[tilespmem:$0x2090] =	vst v4  }
0x6c: {  	v4 =	vld.idx.msk [tilespmem:v5+s14+$0x0], $0xffff  }
0x6d: {  	v5 =	vor.u32 s18, v3;
	_ =	sdelay $0x4  }
0x6e: {  	[tilespmem:$0x20A0] =	vst v4  }
0x6f: {  	v4 =	vld.idx.msk [tilespmem:v5+s14+$0x0], $0xffff;
	_ =	sdelay $0x3  }
.Ltmp2:
0x70: {  	(pc) =	sbr.rel @p1 .LBB2_2-.Ltmp2, $4  }
0x71: {  	_ = 	snop  }
0x72: {  	[tilespmem:$0x20B0] =	vst v4  }
0x73: {  	[hbm4b:s15+s5] =	stream.linear.scatter [tilespmem:s16], [sflag:$0x1], $0x40, $0x38;
	[tilespmem:$0x2100] =	vst v63  }
0x74: {  	_ =	swait.ge [sflag:s6], $0x40  }
.LBB2_3:
0x75: {  	[sflag:s6] =	ssyncset.done $0x0  }
0x76: {  	[sflag:s6] =	ssyncadd.s32 $0xFFFFFFC0  }
.LBB2_4:
0x77: {  	_ =	sfence.sel $0x180000  }
0x78: {  	[bflag:$0x0] =	sbarrier.arrive $0xFFFF  }
0x79: {  	p0 =	sne.s32 s0, $0x0;
	_ =	strace $0x90000047  }
0x7a: {  	s0 =	sadd.s32 @!p0 $0x100000, s1;
	[bflag:$0x2] =	sbarrier.arrive $0xFFFF  }
0x7b: {  	[sflag:s0] =	ssyncadd.tile.s32 @!p0 $0x1;
	_ =	shalt  }
.Lfunc_end2:
_tile_overlayer_lowered:
.L_overlay_start_2:
0x7c: {  	(tag) =	ssettag $0x2  }
0x7d: {  	s0 =	rddreg [dreg:$0x0];
	s2 =	stileid.u32  }
0x7e: {  	s1 =	rddreg [dreg:$0x1];
	p0 =	sne.s32 s2, $0x0  }
0x7f: {  	s3 =	rddreg [dreg:$0x2];
	[bflag:$0x3] =	sbarrier.arrive $0xFFFF;
	s2 =	simm.s32 @!p0 $0x1C01  }
0x80: {  	[timem:s3], [sflag:s2] =	dma.local @!p0 [hbm:s0], s1  }
0x81: {  	s0 =	simm.s32 @!p0 $0x1  }
0x82: {  	_ =	swait.ge @!p0 [sflag:s0], s1  }
0x83: {  	s1 =	ssub.s32 @!p0 $0x0, s1;
	[sflag:s0] =	ssyncset.done @!p0 $0x0  }
0x84: {  	[sflag:s0] =	ssyncadd.s32 @!p0 s1  }
0x85: {  	[bflag:$0x3] =	sbarrier.arrive $0xFFFF  }
0x86: {  	_ =	shalt  }

</sc_bundles>
